<compile_context>
chip_gen: v7x
topology: tpu7x:2x2x1
jax: 0.10.2.dev20260603
libtpu: 0.0.44.dev20260713+nightly
codegen_flags: <defaults>
</compile_context>

<pallas_src>
import functools

import jax
import jax.numpy as jnp
from jax import lax
from jax.experimental import pallas as pl
from jax.experimental.pallas import tpu as pltpu
from jax.experimental.pallas import tpu_sc as plsc

N = 10000
E = 320000
H = 128
G = 64
HP = H // 2

SC_TILES = 32
PPT = HP // SC_TILES
CH = 1280
NCH = E // CH
F32 = jnp.float32
I32 = jnp.int32


def _swish(t):
    return t * jax.nn.sigmoid(t)


def _pack_rows(a, b):
    lo = jax.lax.bitcast_convert_type(a.astype(jnp.bfloat16),
                                      jnp.uint16).astype(jnp.uint32)
    hi = jax.lax.bitcast_convert_type(b.astype(jnp.bfloat16),
                                      jnp.uint16).astype(jnp.uint32)
    return jax.lax.bitcast_convert_type(lo | (hi << 16), I32)


def _prologue_kernel(x_ref, wlin_ref, wle_ref, wlo_ref, blin_ref, ble_ref,
                     blo_ref, f1a_ref, f1b_ref, f2a_ref, f2b_ref,
                     xp_ref, xpk_ref, c1_ref, c2_ref):
    xp_ref[...] = _swish(
        jax.lax.dot_general(x_ref[...], wlin_ref[...], (((1,), (1,)), ((), ())),
                            preferred_element_type=F32) + blin_ref[...])
    xta = _swish(
        jax.lax.dot_general(wle_ref[...], x_ref[...], (((1,), (1,)), ((), ())),
                            preferred_element_type=F32) + ble_ref[...])
    xtb = _swish(
        jax.lax.dot_general(wlo_ref[...], x_ref[...], (((1,), (1,)), ((), ())),
                            preferred_element_type=F32) + blo_ref[...])
    xpk_ref[...] = _pack_rows(xta, xtb)
    c1_ref[...] = jax.lax.dot_general(f1b_ref[...], f1a_ref[...],
                                      (((1,), (0,)), ((), ())),
                                      preferred_element_type=F32)
    c2_ref[...] = jax.lax.dot_general(f2b_ref[...], f2a_ref[...],
                                      (((1,), (0,)), ((), ())),
                                      preferred_element_type=F32)


def _edge_factor_kernel(c1e_ref, c1o_ref, c2e_ref, c2o_ref, f1t_in_ref,
                        f2t_in_ref, f1pk_ref, f2pk_ref):
    def dg(c_ref, f_ref):
        return jax.lax.dot_general(c_ref[...], f_ref[...],
                                   (((1,), (0,)), ((), ())),
                                   preferred_element_type=F32)
    f1pk_ref[...] = _pack_rows(dg(c1e_ref, f1t_in_ref), dg(c1o_ref, f1t_in_ref))
    f2pk_ref[...] = _pack_rows(dg(c2e_ref, f2t_in_ref), dg(c2o_ref, f2t_in_ref))


def _sc_agg(xpk, f1pk, f2pk, ei):
    mesh = plsc.VectorSubcoreMesh(core_axis_name="c", subcore_axis_name="s")
    info = plsc.get_sparse_core_info()
    nc = info.num_cores

    @functools.partial(
        pl.kernel, mesh=mesh,
        compiler_params=pltpu.CompilerParams(needs_layout_passes=False),
        out_type=[jax.ShapeDtypeStruct((H * N,), F32),
                  jax.ShapeDtypeStruct((H * N,), F32)],
        scratch_types=[
            pltpu.VMEM((PPT * N,), I32),
            pltpu.VMEM((4 * N,), F32),
            pltpu.VMEM((4 * N,), F32),
            pltpu.VMEM((2, 2, CH), I32),
            pltpu.VMEM((2, PPT, CH), I32),
            pltpu.VMEM((2, PPT, CH), I32),
            pltpu.SemaphoreType.DMA((2,)),
            pltpu.SemaphoreType.DMA((2,)),
            pltpu.SemaphoreType.DMA((2,)),
        ],
    )
    def body(xpk_h, f1pk_h, f2pk_h, ei_h, agg1_h, agg2_h, xsl, acc1, acc2,
             idx, f1b, f2b, sem_i, sem_1, sem_2):
        wid = lax.axis_index("s") * nc + lax.axis_index("c")
        r0 = wid * PPT
        pltpu.sync_copy(xpk_h.at[pl.ds(r0 * N, PPT * N)], xsl)

        @plsc.parallel_loop(0, 4 * N // 16, unroll=8)
        def _zero(i):
            z = jnp.zeros((16,), F32)
            acc1[pl.ds(i * 16, 16)] = z
            acc2[pl.ds(i * 16, 16)] = z

        def start(c, b):
            pltpu.async_copy(ei_h.at[:, pl.ds(c * CH, CH)], idx.at[b],
                             sem_i.at[b])
            pltpu.async_copy(f1pk_h.at[pl.ds(r0, PPT), pl.ds(c * CH, CH)],
                             f1b.at[b], sem_1.at[b])
            pltpu.async_copy(f2pk_h.at[pl.ds(r0, PPT), pl.ds(c * CH, CH)],
                             f2b.at[b], sem_2.at[b])

        def wait(c, b):
            pltpu.make_async_copy(ei_h.at[:, pl.ds(c * CH, CH)],
                                  idx.at[b], sem_i.at[b]).wait()
            pltpu.make_async_copy(f1pk_h.at[pl.ds(r0, PPT), pl.ds(c * CH, CH)],
                                  f1b.at[b], sem_1.at[b]).wait()
            pltpu.make_async_copy(f2pk_h.at[pl.ds(r0, PPT), pl.ds(c * CH, CH)],
                                  f2b.at[b], sem_2.at[b]).wait()

        start(0, 0)

        def chunk_pair(ci, _):
            c0 = ci * 2
            for b in range(2):
                c = c0 + b
                wait(c, b)

                @pl.when(c + 1 < NCH)
                def _():
                    start(c + 1, 1 - b)

                idxb = idx.at[b]
                f1bb = f1b.at[b]
                f2bb = f2b.at[b]

                @plsc.parallel_loop(0, CH // 16, unroll=8)
                def _group(g):
                    s16 = idxb[0, pl.ds(g * 16, 16)]
                    d16 = idxb[1, pl.ds(g * 16, 16)]
                    for r in range(PPT):
                        xw = plsc.load_gather(xsl, [s16 + (r * N)])
                        xlo, xhi = plsc.unpack(
                            plsc.bitcast(xw, jnp.bfloat16),
                            format=plsc.PackFormat.INTERLEAVED)
                        f1w = f1bb[r, pl.ds(g * 16, 16)]
                        f1lo, f1hi = plsc.unpack(
                            plsc.bitcast(f1w, jnp.bfloat16),
                            format=plsc.PackFormat.INTERLEAVED)
                        f2w = f2bb[r, pl.ds(g * 16, 16)]
                        f2lo, f2hi = plsc.unpack(
                            plsc.bitcast(f2w, jnp.bfloat16),
                            format=plsc.PackFormat.INTERLEAVED)
                        dlo = d16 + (2 * r) * N
                        dhi = d16 + (2 * r + 1) * N
                        plsc.addupdate_scatter(acc1, [dlo], xlo * f1lo)
                        plsc.addupdate_scatter(acc1, [dhi], xhi * f1hi)
                        plsc.addupdate_scatter(acc2, [dlo], xlo * f2lo)
                        plsc.addupdate_scatter(acc2, [dhi], xhi * f2hi)
            return 0
        lax.fori_loop(0, NCH // 2, chunk_pair, 0)
        pltpu.sync_copy(acc1, agg1_h.at[pl.ds(r0 * 2 * N, 4 * N)])
        pltpu.sync_copy(acc2, agg2_h.at[pl.ds(r0 * 2 * N, 4 * N)])

    return body(xpk, f1pk, f2pk, ei)


def _epilogue_kernel(xp_ref, a1_ref, a2_ref, batch_ref,
                     wrel1_ref, brel1_ref, wroot1_ref, w1_ref, b1_ref,
                     wrel2_ref, brel2_ref, wroot2_ref, w2_ref, b2_ref,
                     wcat_ref, bcat_ref,
                     lw0_ref, lb0_ref, lw1_ref, lb1_ref, lw2_ref, lb2_ref,
                     normw_ref, normb_ref, normms_ref,
                     wfin_ref, bfin_ref, out_ref):
    def matT(a, w):
        return jax.lax.dot_general(a, w, (((1,), (1,)), ((), ())),
                                   preferred_element_type=F32)

    def matT0(aT, w):
        return jax.lax.dot_general(aT, w, (((0,), (1,)), ((), ())),
                                   preferred_element_type=F32)

    xp = xp_ref[...]
    h1 = _swish(matT(matT0(a1_ref[...], wrel1_ref[...]) + brel1_ref[...]
                     + matT(xp, wroot1_ref[...]), w1_ref[...]) + b1_ref[...])
    h2 = _swish(matT(matT0(a2_ref[...], wrel2_ref[...]) + brel2_ref[...]
                     + matT(xp, wroot2_ref[...]), w2_ref[...]) + b2_ref[...])
    wcat = wcat_ref[...]
    h = (matT(h1, wcat[:, :H]) + matT(h2, wcat[:, H:]) + bcat_ref[...] + xp)
    for w_ref, b_ref in ((lw0_ref, lb0_ref), (lw1_ref, lb1_ref),
                         (lw2_ref, lb2_ref)):
        h = _swish(matT(h, w_ref[...]) + b_ref[...]) + h

    onehot = (batch_ref[...] ==
              jax.lax.broadcasted_iota(jnp.int32, (N, G), 1)).astype(F32)
    cnt = jnp.maximum(
        jax.lax.dot_general(jnp.ones((1, N), F32), onehot,
                            (((1,), (0,)), ((), ())),
                            preferred_element_type=F32), 1.0)
    seg = lambda t: jax.lax.dot_general(
        onehot, t, (((0,), (0,)), ((), ())),
        preferred_element_type=F32) / cnt.reshape(G, 1)
    mean = seg(h)
    h = h - normms_ref[...] * jnp.dot(onehot, mean,
                                      preferred_element_type=F32)
    var = seg(h * h)
    std = jnp.sqrt(var + 1e-5)
    h = normw_ref[...] * h / jnp.dot(onehot, std,
                                     preferred_element_type=F32) \
        + normb_ref[...]
    out_ref[...] = matT(h, wfin_ref[...]) + bfin_ref[...]


@jax.jit
def kernel(x, feature1, feature2, edge_index, batch, params):
    p = params
    row = lambda t: t.reshape(1, -1)
    col = lambda t: t.reshape(-1, 1)

    xp, xpk, c1, c2 = pl.pallas_call(
        _prologue_kernel,
        out_shape=[jax.ShapeDtypeStruct((N, H), F32),
                   jax.ShapeDtypeStruct((HP, N), I32),
                   jax.ShapeDtypeStruct((H, 12), F32),
                   jax.ShapeDtypeStruct((H, 6), F32)],
    )(x, p['W_lin'], p['W_lin'][0::2], p['W_lin'][1::2], row(p['b_lin']),
      col(p['b_lin'][0::2]), col(p['b_lin'][1::2]),
      p['W_f1a'], p['W_f1b'], p['W_f2a'], p['W_f2b'])

    EC = 16000
    grid = E // EC
    f1pk, f2pk = pl.pallas_call(
        _edge_factor_kernel,
        grid=(grid,),
        in_specs=[pl.BlockSpec((HP, 12), lambda i: (0, 0)),
                  pl.BlockSpec((HP, 12), lambda i: (0, 0)),
                  pl.BlockSpec((HP, 6), lambda i: (0, 0)),
                  pl.BlockSpec((HP, 6), lambda i: (0, 0)),
                  pl.BlockSpec((12, EC), lambda i: (0, i)),
                  pl.BlockSpec((6, EC), lambda i: (0, i))],
        out_specs=[pl.BlockSpec((HP, EC), lambda i: (0, i)),
                   pl.BlockSpec((HP, EC), lambda i: (0, i))],
        out_shape=[jax.ShapeDtypeStruct((HP, E), I32),
                   jax.ShapeDtypeStruct((HP, E), I32)],
    )(c1[0::2], c1[1::2], c2[0::2], c2[1::2], feature1.T, feature2.T)

    agg1Tf, agg2Tf = _sc_agg(xpk.reshape(-1), f1pk, f2pk, edge_index)
    agg1T = agg1Tf.reshape(H, N)
    agg2T = agg2Tf.reshape(H, N)

    out = pl.pallas_call(
        _epilogue_kernel,
        out_shape=jax.ShapeDtypeStruct((N, H), F32),
    )(xp, agg1T, agg2T, batch.reshape(N, 1),
      p['W_rel1'], row(p['b_rel1']), p['W_root1'], p['W1'], row(p['b1']),
      p['W_rel2'], row(p['b_rel2']), p['W_root2'], p['W2'], row(p['b2']),
      p['W_cat'], row(p['b_cat']),
      p['lins_W'][0], row(p['lins_b'][0]), p['lins_W'][1],
      row(p['lins_b'][1]), p['lins_W'][2], row(p['lins_b'][2]),
      row(p['norm_w']), row(p['norm_b']), row(p['norm_ms']),
      p['W_final'], row(p['b_final']))
    return out

# --- scband reference (transcript-rebuilt; emitter-appended) ---
"""Pipeline reference for scband-simple-interaction-block-7095285973125 (READ-ONLY COPY).

The authoritative reference and input builder live on the scoring server;
editing this copy changes nothing except your own understanding.
"""

import jax, jax.numpy as jnp
import numpy as np

N = 10000
E = 320000
H = 128
MID = 64
F1 = 12
F2 = 6
L = 3
OUT = 128
G = 64


def _glorot(key, shape):
    s = jnp.sqrt(6.0 / (shape[0] + shape[1]))
    return jax.random.uniform(key, shape, jnp.float32, -s, s)


def setup_inputs(seed: int = 0) -> dict:
    key = jax.random.key(seed)
    ks = jax.random.split(key, 32)
    params = {
        'W_lin': _glorot(ks[0], (H, H)), 'b_lin': jnp.zeros((H,), jnp.float32),
        'W_f1a': _glorot(ks[1], (MID, F1)), 'W_f1b': _glorot(ks[2], (H, MID)),
        'W_f2a': _glorot(ks[3], (MID, F2)), 'W_f2b': _glorot(ks[4], (H, MID)),
        'W_rel1': _glorot(ks[5], (H, H)), 'b_rel1': jnp.zeros((H,), jnp.float32),
        'W_root1': _glorot(ks[6], (H, H)),
        'W_rel2': _glorot(ks[7], (H, H)), 'b_rel2': jnp.zeros((H,), jnp.float32),
        'W_root2': _glorot(ks[8], (H, H)),
        'W1': _glorot(ks[9], (H, H)), 'b1': jnp.zeros((H,), jnp.float32),
        'W2': _glorot(ks[10], (H, H)), 'b2': jnp.zeros((H,), jnp.float32),
        'W_cat': _glorot(ks[11], (H, 2 * H)), 'b_cat': jnp.zeros((H,), jnp.float32),
        'lins_W': [_glorot(ks[12 + i], (H, H)) for i in range(L)],
        'lins_b': [jnp.zeros((H,), jnp.float32) for _ in range(L)],
        'norm_w': jnp.ones((H,), jnp.float32),
        'norm_b': jnp.zeros((H,), jnp.float32),
        'norm_ms': jnp.ones((H,), jnp.float32),
        'W_final': _glorot(ks[16], (OUT, H)), 'b_final': jnp.zeros((OUT,), jnp.float32),
    }
    x = jax.random.normal(ks[20], (N, H), jnp.float32)
    feature1 = jax.random.normal(ks[21], (E, F1), jnp.float32)
    feature2 = jax.random.normal(ks[22], (E, F2), jnp.float32)
    edge_index = jax.random.randint(ks[23], (2, E), 0, N, dtype=jnp.int32)
    batch = jnp.sort(jax.random.randint(ks[24], (N,), 0, G, dtype=jnp.int32))
    return {'x': x, 'feature1': feature1, 'feature2': feature2,
            'edge_index': edge_index, 'batch': batch, 'params': params}


def _swish(t):
    return t * jax.nn.sigmoid(t)


def reference(x, feature1, feature2, edge_index, batch, params):
    p = params
    src = edge_index[0]
    dst = edge_index[1]
    x = _swish(x @ p['W_lin'].T + p['b_lin'])
    f1 = (feature1 @ p['W_f1a'].T) @ p['W_f1b'].T
    f2 = (feature2 @ p['W_f2a'].T) @ p['W_f2b'].T

    def conv(xx, f, Wrel, brel, Wroot):
        m = xx[src] * f
        agg = jax.ops.segment_sum(m, dst, num_segments=N)
        return agg @ Wrel.T + brel + xx @ Wroot.T

    h1 = _swish(conv(x, f1, p['W_rel1'], p['b_rel1'], p['W_root1']) @ p['W1'].T + p['b1'])
    h2 = _swish(conv(x, f2, p['W_rel2'], p['b_rel2'], p['W_root2']) @ p['W2'].T + p['b2'])
    h = jnp.concatenate([h1, h2], axis=1) @ p['W_cat'].T + p['b_cat']
    h = h + x
    for W, b in zip(p['lins_W'], p['lins_b']):
        h = _swish(h @ W.T + b) + h
    ones = jnp.ones((N, 1), jnp.float32)
    cnt = jnp.maximum(jax.ops.segment_sum(ones, batch, num_segments=G), 1.0)
    mean = jax.ops.segment_sum(h, batch, num_segments=G) / cnt
    h = h - p['norm_ms'] * mean[batch]
    var = jax.ops.segment_sum(h * h, batch, num_segments=G) / cnt
    std = jnp.sqrt(var + 1e-5)
    h = p['norm_w'] * h / std[batch] + p['norm_b']
    return h @ p['W_final'].T + p['b_final']

if __name__ == "__main__":
    import jax
    _d = setup_inputs()
    print(jax.jit(kernel)(*tuple(_d.values())))

</pallas_src>

<mosaic_0001>
#map = affine_map<(d0, d1) -> (0)>
#map1 = affine_map<(d0, d1) -> (0, 0)>
module attributes {stable_mosaic.version = 14 : i64} {
  func.func @body(%arg0: i32, %arg1: i32, %arg2: memref<640000xi32, #tpu.memory_space<hbm>>, %arg3: memref<64x320000xi32, #tpu.memory_space<hbm>>, %arg4: memref<64x320000xi32, #tpu.memory_space<hbm>>, %arg5: memref<2x320000xi32, #tpu.memory_space<hbm>>, %arg6: memref<1280000xf32, #tpu.memory_space<hbm>>, %arg7: memref<1280000xf32, #tpu.memory_space<hbm>>, %arg8: memref<20000xi32, #tpu.memory_space<vmem>>, %arg9: memref<40000xf32, #tpu.memory_space<vmem>>, %arg10: memref<40000xf32, #tpu.memory_space<vmem>>, %arg11: memref<2x2x1280xi32, #tpu.memory_space<vmem>>, %arg12: memref<2x2x1280xi32, #tpu.memory_space<vmem>>, %arg13: memref<2x2x1280xi32, #tpu.memory_space<vmem>>, %arg14: memref<2x!tpu.dma_semaphore, #tpu.memory_space<semaphore_mem>>, %arg15: memref<2x!tpu.dma_semaphore, #tpu.memory_space<semaphore_mem>>, %arg16: memref<2x!tpu.dma_semaphore, #tpu.memory_space<semaphore_mem>>) attributes {dimension_semantics = [#tpu.dimension_semantics<core_parallel>, #tpu.dimension_semantics<subcore_parallel>], iteration_bounds = array<i64: 2, 16>, scalar_prefetch = 0 : i64, scratch_operands = 9 : i64, tpu.core_type = #tpu.core_type<sc_vector_subcore>, window_params = [{transform_indices = #map}, {transform_indices = #map1}, {transform_indices = #map1}, {transform_indices = #map1}, {transform_indices = #map}, {transform_indices = #map}]} {
    %mul3A = arith.constant 2 : i32
    %mul3A_0 = arith.muli %arg1, %mul3A : i32
    %add3A = arith.addi %mul3A_0, %arg0 : i32
    %mul3A_1 = arith.constant 2 : i32
    %mul3A_2 = arith.muli %add3A, %mul3A_1 : i32
    %mul3A_3 = arith.constant 10000 : i32
    %mul3A_4 = arith.muli %mul3A_2, %mul3A_3 : i32
    "tpu.region"() ({
      %run_scoped3A = tpu.sem_alloc : memref<!tpu.dma_semaphore, #tpu.memory_space<semaphore_mem>>
      %dma_start3A_70 = tpu.memref_slice %arg2[%mul3A_4] : memref<640000xi32, #tpu.memory_space<hbm>> -> memref<20000xi32, #tpu.memory_space<hbm>>
      %dma_start3A_71 = tpu.memref_slice %arg2[%mul3A_4] : memref<640000xi32, #tpu.memory_space<hbm>> -> memref<20000xi32, #tpu.memory_space<hbm>>
      tpu.enqueue_dma source(%dma_start3A_71 : memref<20000xi32, #tpu.memory_space<hbm>>) target(%arg8 : memref<20000xi32, #tpu.memory_space<vmem>>) target_semaphore(%run_scoped3A : memref<!tpu.dma_semaphore, #tpu.memory_space<semaphore_mem>>)
      %dma_wait3A = tpu.memref_slice %arg2[%mul3A_4] : memref<640000xi32, #tpu.memory_space<hbm>> -> memref<20000xi32, #tpu.memory_space<hbm>>
      %dma_wait3A_72 = tpu.memref_slice %arg2[%mul3A_4] : memref<640000xi32, #tpu.memory_space<hbm>> -> memref<20000xi32, #tpu.memory_space<hbm>>
      tpu.wait_dma2 semaphore(%run_scoped3A : memref<!tpu.dma_semaphore, #tpu.memory_space<semaphore_mem>>) src(%dma_wait3A_72 : memref<20000xi32, #tpu.memory_space<hbm>>) dst(%arg8 : memref<20000xi32, #tpu.memory_space<vmem>>)
      tpu.yield
    }) : () -> ()
    %parallel_loop3A = arith.constant 0 : i32
    %parallel_loop3A_5 = arith.constant 2500 : i32
    %parallel_loop3A_6 = arith.constant 1 : i32
    scf.for %parallel_loop3A_70 = %parallel_loop3A to %parallel_loop3A_5 step %parallel_loop3A_6  : i32 {
      %parallel_loop3A_71 = arith.constant 0.000000e+00 : f32
      %parallel_loop3A_72 = vector.broadcast %parallel_loop3A_71 : f32 to vector<16xf32>
      %parallel_loop3A_73 = arith.constant 16 : i32
      %parallel_loop3A_74 = arith.muli %parallel_loop3A_70, %parallel_loop3A_73 : i32
      %parallel_loop3A_75 = arith.index_cast %parallel_loop3A_74 : i32 to index
      %parallel_loop3A_76 = tpu.vector_load %arg9[%parallel_loop3A_75] {strides = array<i32>} : memref<40000xf32, #tpu.memory_space<vmem>>, vector<16xf32>,
      tpu.vector_store %arg9[%parallel_loop3A_75], %parallel_loop3A_72 {strides = array<i32>} : memref<40000xf32, #tpu.memory_space<vmem>>, vector<16xf32>,
      %parallel_loop3A_77 = arith.constant 16 : i32
      %parallel_loop3A_78 = arith.muli %parallel_loop3A_70, %parallel_loop3A_77 : i32
      %parallel_loop3A_79 = arith.index_cast %parallel_loop3A_78 : i32 to index
      %parallel_loop3A_80 = tpu.vector_load %arg10[%parallel_loop3A_79] {strides = array<i32>} : memref<40000xf32, #tpu.memory_space<vmem>>, vector<16xf32>,
      tpu.vector_store %arg10[%parallel_loop3A_79], %parallel_loop3A_72 {strides = array<i32>} : memref<40000xf32, #tpu.memory_space<vmem>>, vector<16xf32>,
    } {sc.loop_unroll_factor = 8 : i64, sc.parallel_access}
    %dma_start3A = arith.constant 0 : i32
    %dma_start3A_7 = arith.constant 0 : i32
    %dma_start3A_8 = arith.constant 0 : i32
    %dma_start3A_9 = arith.constant 0 : i32
    %dma_start3A_10 = tpu.memref_slice %arg11[%dma_start3A, %dma_start3A_8, %dma_start3A_9] : memref<2x2x1280xi32, #tpu.memory_space<vmem>> -> memref<1x2x1280xi32, #tpu.memory_space<vmem>>
    %dma_start3A_11 = tpu.memref_squeeze %dma_start3A_10 : memref<1x2x1280xi32, #tpu.memory_space<vmem>> -> memref<2x1280xi32, #tpu.memory_space<vmem>>
    %dma_start3A_12 = arith.constant 0 : i32
    %dma_start3A_13 = arith.constant 0 : i32
    %dma_start3A_14 = tpu.memref_slice %arg5[%dma_start3A_12, %dma_start3A_13] : memref<2x320000xi32, #tpu.memory_space<hbm>> -> memref<2x1280xi32, #tpu.memory_space<hbm>>
    %dma_start3A_15 = tpu.memref_slice %arg14[%dma_start3A_7] : memref<2x!tpu.dma_semaphore, #tpu.memory_space<semaphore_mem>> -> memref<1x!tpu.dma_semaphore, #tpu.memory_space<semaphore_mem>>
    %dma_start3A_16 = tpu.memref_squeeze %dma_start3A_15 : memref<1x!tpu.dma_semaphore, #tpu.memory_space<semaphore_mem>> -> memref<!tpu.dma_semaphore, #tpu.memory_space<semaphore_mem>>
    %dma_start3A_17 = arith.constant 0 : i32
    %dma_start3A_18 = arith.constant 0 : i32
    %dma_start3A_19 = tpu.memref_slice %arg11[%dma_start3A, %dma_start3A_17, %dma_start3A_18] : memref<2x2x1280xi32, #tpu.memory_space<vmem>> -> memref<1x2x1280xi32, #tpu.memory_space<vmem>>
    %dma_start3A_20 = tpu.memref_squeeze %dma_start3A_19 : memref<1x2x1280xi32, #tpu.memory_space<vmem>> -> memref<2x1280xi32, #tpu.memory_space<vmem>>
    %dma_start3A_21 = arith.constant 0 : i32
    %dma_start3A_22 = arith.constant 0 : i32
    %dma_start3A_23 = tpu.memref_slice %arg5[%dma_start3A_21, %dma_start3A_22] : memref<2x320000xi32, #tpu.memory_space<hbm>> -> memref<2x1280xi32, #tpu.memory_space<hbm>>
    tpu.enqueue_dma source(%dma_start3A_23 : memref<2x1280xi32, #tpu.memory_space<hbm>>) target(%dma_start3A_20 : memref<2x1280xi32, #tpu.memory_space<vmem>>) target_semaphore(%dma_start3A_16 : memref<!tpu.dma_semaphore, #tpu.memory_space<semaphore_mem>>)
    %dma_start3A_24 = arith.constant 0 : i32
    %dma_start3A_25 = arith.constant 0 : i32
    %dma_start3A_26 = arith.constant 0 : i32
    %dma_start3A_27 = arith.constant 0 : i32
    %dma_start3A_28 = tpu.memref_slice %arg12[%dma_start3A_24, %dma_start3A_26, %dma_start3A_27] : memref<2x2x1280xi32, #tpu.memory_space<vmem>> -> memref<1x2x1280xi32, #tpu.memory_space<vmem>>
    %dma_start3A_29 = tpu.memref_squeeze %dma_start3A_28 : memref<1x2x1280xi32, #tpu.memory_space<vmem>> -> memref<2x1280xi32, #tpu.memory_space<vmem>>
    %dma_start3A_30 = arith.constant 0 : i32
    %dma_start3A_31 = tpu.memref_slice %arg3[%mul3A_2, %dma_start3A_30] : memref<64x320000xi32, #tpu.memory_space<hbm>> -> memref<2x1280xi32, #tpu.memory_space<hbm>>
    %dma_start3A_32 = tpu.memref_slice %arg15[%dma_start3A_25] : memref<2x!tpu.dma_semaphore, #tpu.memory_space<semaphore_mem>> -> memref<1x!tpu.dma_semaphore, #tpu.memory_space<semaphore_mem>>
    %dma_start3A_33 = tpu.memref_squeeze %dma_start3A_32 : memref<1x!tpu.dma_semaphore, #tpu.memory_space<semaphore_mem>> -> memref<!tpu.dma_semaphore, #tpu.memory_space<semaphore_mem>>
    %dma_start3A_34 = arith.constant 0 : i32
    %dma_start3A_35 = arith.constant 0 : i32
    %dma_start3A_36 = tpu.memref_slice %arg12[%dma_start3A_24, %dma_start3A_34, %dma_start3A_35] : memref<2x2x1280xi32, #tpu.memory_space<vmem>> -> memref<1x2x1280xi32, #tpu.memory_space<vmem>>
    %dma_start3A_37 = tpu.memref_squeeze %dma_start3A_36 : memref<1x2x1280xi32, #tpu.memory_space<vmem>> -> memref<2x1280xi32, #tpu.memory_space<vmem>>
    %dma_start3A_38 = arith.constant 0 : i32
    %dma_start3A_39 = tpu.memref_slice %arg3[%mul3A_2, %dma_start3A_38] : memref<64x320000xi32, #tpu.memory_space<hbm>> -> memref<2x1280xi32, #tpu.memory_space<hbm>>
    tpu.enqueue_dma source(%dma_start3A_39 : memref<2x1280xi32, #tpu.memory_space<hbm>>) target(%dma_start3A_37 : memref<2x1280xi32, #tpu.memory_space<vmem>>) target_semaphore(%dma_start3A_33 : memref<!tpu.dma_semaphore, #tpu.memory_space<semaphore_mem>>)
    %dma_start3A_40 = arith.constant 0 : i32
    %dma_start3A_41 = arith.constant 0 : i32
    %dma_start3A_42 = arith.constant 0 : i32
    %dma_start3A_43 = arith.constant 0 : i32
    %dma_start3A_44 = tpu.memref_slice %arg13[%dma_start3A_40, %dma_start3A_42, %dma_start3A_43] : memref<2x2x1280xi32, #tpu.memory_space<vmem>> -> memref<1x2x1280xi32, #tpu.memory_space<vmem>>
    %dma_start3A_45 = tpu.memref_squeeze %dma_start3A_44 : memref<1x2x1280xi32, #tpu.memory_space<vmem>> -> memref<2x1280xi32, #tpu.memory_space<vmem>>
    %dma_start3A_46 = arith.constant 0 : i32
    %dma_start3A_47 = tpu.memref_slice %arg4[%mul3A_2, %dma_start3A_46] : memref<64x320000xi32, #tpu.memory_space<hbm>> -> memref<2x1280xi32, #tpu.memory_space<hbm>>
    %dma_start3A_48 = tpu.memref_slice %arg16[%dma_start3A_41] : memref<2x!tpu.dma_semaphore, #tpu.memory_space<semaphore_mem>> -> memref<1x!tpu.dma_semaphore, #tpu.memory_space<semaphore_mem>>
    %dma_start3A_49 = tpu.memref_squeeze %dma_start3A_48 : memref<1x!tpu.dma_semaphore, #tpu.memory_space<semaphore_mem>> -> memref<!tpu.dma_semaphore, #tpu.memory_space<semaphore_mem>>
    %dma_start3A_50 = arith.constant 0 : i32
    %dma_start3A_51 = arith.constant 0 : i32
    %dma_start3A_52 = tpu.memref_slice %arg13[%dma_start3A_40, %dma_start3A_50, %dma_start3A_51] : memref<2x2x1280xi32, #tpu.memory_space<vmem>> -> memref<1x2x1280xi32, #tpu.memory_space<vmem>>
    %dma_start3A_53 = tpu.memref_squeeze %dma_start3A_52 : memref<1x2x1280xi32, #tpu.memory_space<vmem>> -> memref<2x1280xi32, #tpu.memory_space<vmem>>
    %dma_start3A_54 = arith.constant 0 : i32
    %dma_start3A_55 = tpu.memref_slice %arg4[%mul3A_2, %dma_start3A_54] : memref<64x320000xi32, #tpu.memory_space<hbm>> -> memref<2x1280xi32, #tpu.memory_space<hbm>>
    tpu.enqueue_dma source(%dma_start3A_55 : memref<2x1280xi32, #tpu.memory_space<hbm>>) target(%dma_start3A_53 : memref<2x1280xi32, #tpu.memory_space<vmem>>) target_semaphore(%dma_start3A_49 : memref<!tpu.dma_semaphore, #tpu.memory_space<semaphore_mem>>)
    %scan3A = arith.constant 0 : i32
    %scan3A_56 = arith.constant 0 : i32
    %scan3A_57 = arith.constant 125 : i32
    %scan3A_58 = arith.addi %scan3A_56, %scan3A_57 : i32
    %scan3A_59 = arith.constant 1 : i32
    %scan3A_60 = scf.for %scan3A_70 = %scan3A_56 to %scan3A_58 step %scan3A_59 iter_args(%scan3A_71 = %scan3A) -> (i32)  : i32 {
      %mul3A_72 = arith.constant 2 : i32
      %mul3A_73 = arith.muli %scan3A_70, %mul3A_72 : i32
      %add3A_74 = arith.constant 0 : i32
      %add3A_75 = arith.addi %mul3A_73, %add3A_74 : i32
      %mul3A_76 = arith.constant 1280 : i32
      %mul3A_77 = arith.muli %add3A_75, %mul3A_76 : i32
      %dma_wait3A = arith.constant 0 : i32
      %dma_wait3A_78 = arith.constant 0 : i32
      %dma_wait3A_79 = arith.constant 0 : i32
      %dma_wait3A_80 = arith.constant 0 : i32
      %dma_wait3A_81 = tpu.memref_slice %arg11[%dma_wait3A, %dma_wait3A_79, %dma_wait3A_80] : memref<2x2x1280xi32, #tpu.memory_space<vmem>> -> memref<1x2x1280xi32, #tpu.memory_space<vmem>>
      %dma_wait3A_82 = tpu.memref_squeeze %dma_wait3A_81 : memref<1x2x1280xi32, #tpu.memory_space<vmem>> -> memref<2x1280xi32, #tpu.memory_space<vmem>>
      %dma_wait3A_83 = arith.constant 0 : i32
      %dma_wait3A_84 = tpu.memref_slice %arg5[%dma_wait3A_83, %mul3A_77] : memref<2x320000xi32, #tpu.memory_space<hbm>> -> memref<2x1280xi32, #tpu.memory_space<hbm>>
      %dma_wait3A_85 = tpu.memref_slice %arg14[%dma_wait3A_78] : memref<2x!tpu.dma_semaphore, #tpu.memory_space<semaphore_mem>> -> memref<1x!tpu.dma_semaphore, #tpu.memory_space<semaphore_mem>>
      %dma_wait3A_86 = tpu.memref_squeeze %dma_wait3A_85 : memref<1x!tpu.dma_semaphore, #tpu.memory_space<semaphore_mem>> -> memref<!tpu.dma_semaphore, #tpu.memory_space<semaphore_mem>>
      %dma_wait3A_87 = arith.constant 0 : i32
      %dma_wait3A_88 = arith.constant 0 : i32
      %dma_wait3A_89 = tpu.memref_slice %arg11[%dma_wait3A, %dma_wait3A_87, %dma_wait3A_88] : memref<2x2x1280xi32, #tpu.memory_space<vmem>> -> memref<1x2x1280xi32, #tpu.memory_space<vmem>>
      %dma_wait3A_90 = tpu.memref_squeeze %dma_wait3A_89 : memref<1x2x1280xi32, #tpu.memory_space<vmem>> -> memref<2x1280xi32, #tpu.memory_space<vmem>>
      %dma_wait3A_91 = arith.constant 0 : i32
      %dma_wait3A_92 = tpu.memref_slice %arg5[%dma_wait3A_91, %mul3A_77] : memref<2x320000xi32, #tpu.memory_space<hbm>> -> memref<2x1280xi32, #tpu.memory_space<hbm>>
      tpu.wait_dma2 semaphore(%dma_wait3A_86 : memref<!tpu.dma_semaphore, #tpu.memory_space<semaphore_mem>>) src(%dma_wait3A_92 : memref<2x1280xi32, #tpu.memory_space<hbm>>) dst(%dma_wait3A_90 : memref<2x1280xi32, #tpu.memory_space<vmem>>)
      %mul3A_93 = arith.constant 1280 : i32
      %mul3A_94 = arith.muli %add3A_75, %mul3A_93 : i32
      %dma_wait3A_95 = arith.constant 0 : i32
      %dma_wait3A_96 = arith.constant 0 : i32
      %dma_wait3A_97 = arith.constant 0 : i32
      %dma_wait3A_98 = arith.constant 0 : i32
      %dma_wait3A_99 = tpu.memref_slice %arg12[%dma_wait3A_95, %dma_wait3A_97, %dma_wait3A_98] : memref<2x2x1280xi32, #tpu.memory_space<vmem>> -> memref<1x2x1280xi32, #tpu.memory_space<vmem>>
      %dma_wait3A_100 = tpu.memref_squeeze %dma_wait3A_99 : memref<1x2x1280xi32, #tpu.memory_space<vmem>> -> memref<2x1280xi32, #tpu.memory_space<vmem>>
      %dma_wait3A_101 = tpu.memref_slice %arg3[%mul3A_2, %mul3A_94] : memref<64x320000xi32, #tpu.memory_space<hbm>> -> memref<2x1280xi32, #tpu.memory_space<hbm>>
      %dma_wait3A_102 = tpu.memref_slice %arg15[%dma_wait3A_96] : memref<2x!tpu.dma_semaphore, #tpu.memory_space<semaphore_mem>> -> memref<1x!tpu.dma_semaphore, #tpu.memory_space<semaphore_mem>>
      %dma_wait3A_103 = tpu.memref_squeeze %dma_wait3A_102 : memref<1x!tpu.dma_semaphore, #tpu.memory_space<semaphore_mem>> -> memref<!tpu.dma_semaphore, #tpu.memory_space<semaphore_mem>>
      %dma_wait3A_104 = arith.constant 0 : i32
      %dma_wait3A_105 = arith.constant 0 : i32
      %dma_wait3A_106 = tpu.memref_slice %arg12[%dma_wait3A_95, %dma_wait3A_104, %dma_wait3A_105] : memref<2x2x1280xi32, #tpu.memory_space<vmem>> -> memref<1x2x1280xi32, #tpu.memory_space<vmem>>
      %dma_wait3A_107 = tpu.memref_squeeze %dma_wait3A_106 : memref<1x2x1280xi32, #tpu.memory_space<vmem>> -> memref<2x1280xi32, #tpu.memory_space<vmem>>
      %dma_wait3A_108 = tpu.memref_slice %arg3[%mul3A_2, %mul3A_94] : memref<64x320000xi32, #tpu.memory_space<hbm>> -> memref<2x1280xi32, #tpu.memory_space<hbm>>
      tpu.wait_dma2 semaphore(%dma_wait3A_103 : memref<!tpu.dma_semaphore, #tpu.memory_space<semaphore_mem>>) src(%dma_wait3A_108 : memref<2x1280xi32, #tpu.memory_space<hbm>>) dst(%dma_wait3A_107 : memref<2x1280xi32, #tpu.memory_space<vmem>>)
      %mul3A_109 = arith.constant 1280 : i32
      %mul3A_110 = arith.muli %add3A_75, %mul3A_109 : i32
      %dma_wait3A_111 = arith.constant 0 : i32
      %dma_wait3A_112 = arith.constant 0 : i32
      %dma_wait3A_113 = arith.constant 0 : i32
      %dma_wait3A_114 = arith.constant 0 : i32
      %dma_wait3A_115 = tpu.memref_slice %arg13[%dma_wait3A_111, %dma_wait3A_113, %dma_wait3A_114] : memref<2x2x1280xi32, #tpu.memory_space<vmem>> -> memref<1x2x1280xi32, #tpu.memory_space<vmem>>
      %dma_wait3A_116 = tpu.memref_squeeze %dma_wait3A_115 : memref<1x2x1280xi32, #tpu.memory_space<vmem>> -> memref<2x1280xi32, #tpu.memory_space<vmem>>
      %dma_wait3A_117 = tpu.memref_slice %arg4[%mul3A_2, %mul3A_110] : memref<64x320000xi32, #tpu.memory_space<hbm>> -> memref<2x1280xi32, #tpu.memory_space<hbm>>
      %dma_wait3A_118 = tpu.memref_slice %arg16[%dma_wait3A_112] : memref<2x!tpu.dma_semaphore, #tpu.memory_space<semaphore_mem>> -> memref<1x!tpu.dma_semaphore, #tpu.memory_space<semaphore_mem>>
      %dma_wait3A_119 = tpu.memref_squeeze %dma_wait3A_118 : memref<1x!tpu.dma_semaphore, #tpu.memory_space<semaphore_mem>> -> memref<!tpu.dma_semaphore, #tpu.memory_space<semaphore_mem>>
      %dma_wait3A_120 = arith.constant 0 : i32
      %dma_wait3A_121 = arith.constant 0 : i32
      %dma_wait3A_122 = tpu.memref_slice %arg13[%dma_wait3A_111, %dma_wait3A_120, %dma_wait3A_121] : memref<2x2x1280xi32, #tpu.memory_space<vmem>> -> memref<1x2x1280xi32, #tpu.memory_space<vmem>>
      %dma_wait3A_123 = tpu.memref_squeeze %dma_wait3A_122 : memref<1x2x1280xi32, #tpu.memory_space<vmem>> -> memref<2x1280xi32, #tpu.memory_space<vmem>>
      %dma_wait3A_124 = tpu.memref_slice %arg4[%mul3A_2, %mul3A_110] : memref<64x320000xi32, #tpu.memory_space<hbm>> -> memref<2x1280xi32, #tpu.memory_space<hbm>>
      tpu.wait_dma2 semaphore(%dma_wait3A_119 : memref<!tpu.dma_semaphore, #tpu.memory_space<semaphore_mem>>) src(%dma_wait3A_124 : memref<2x1280xi32, #tpu.memory_space<hbm>>) dst(%dma_wait3A_123 : memref<2x1280xi32, #tpu.memory_space<vmem>>)
      %add3A_125 = arith.constant 1 : i32
      %add3A_126 = arith.addi %add3A_75, %add3A_125 : i32
      %lt3A = arith.constant 250 : i32
      %lt3A_127 = arith.cmpi slt, %add3A_126, %lt3A : i32
      %convert_element_type3A = arith.extui %lt3A_127 : i1 to i32
      %cond3A = arith.constant 0 : i32
      %cond3A_128 = arith.cmpi ne, %convert_element_type3A, %cond3A : i32
      scf.if %cond3A_128 {
        %add3A_201 = arith.constant 1 : i32
        %add3A_202 = arith.addi %add3A_75, %add3A_201 : i32
        %mul3A_203 = arith.constant 1280 : i32
        %mul3A_204 = arith.muli %add3A_202, %mul3A_203 : i32
        %dma_start3A_205 = arith.constant 1 : i32
        %dma_start3A_206 = arith.constant 1 : i32
        %dma_start3A_207 = arith.constant 0 : i32
        %dma_start3A_208 = arith.constant 0 : i32
        %dma_start3A_209 = tpu.memref_slice %arg11[%dma_start3A_205, %dma_start3A_207, %dma_start3A_208] : memref<2x2x1280xi32, #tpu.memory_space<vmem>> -> memref<1x2x1280xi32, #tpu.memory_space<vmem>>
        %dma_start3A_210 = tpu.memref_squeeze %dma_start3A_209 : memref<1x2x1280xi32, #tpu.memory_space<vmem>> -> memref<2x1280xi32, #tpu.memory_space<vmem>>
        %dma_start3A_211 = arith.constant 0 : i32
        %dma_start3A_212 = tpu.memref_slice %arg5[%dma_start3A_211, %mul3A_204] : memref<2x320000xi32, #tpu.memory_space<hbm>> -> memref<2x1280xi32, #tpu.memory_space<hbm>>
        %dma_start3A_213 = tpu.memref_slice %arg14[%dma_start3A_206] : memref<2x!tpu.dma_semaphore, #tpu.memory_space<semaphore_mem>> -> memref<1x!tpu.dma_semaphore, #tpu.memory_space<semaphore_mem>>
        %dma_start3A_214 = tpu.memref_squeeze %dma_start3A_213 : memref<1x!tpu.dma_semaphore, #tpu.memory_space<semaphore_mem>> -> memref<!tpu.dma_semaphore, #tpu.memory_space<semaphore_mem>>
        %dma_start3A_215 = arith.constant 0 : i32
        %dma_start3A_216 = arith.constant 0 : i32
        %dma_start3A_217 = tpu.memref_slice %arg11[%dma_start3A_205, %dma_start3A_215, %dma_start3A_216] : memref<2x2x1280xi32, #tpu.memory_space<vmem>> -> memref<1x2x1280xi32, #tpu.memory_space<vmem>>
        %dma_start3A_218 = tpu.memref_squeeze %dma_start3A_217 : memref<1x2x1280xi32, #tpu.memory_space<vmem>> -> memref<2x1280xi32, #tpu.memory_space<vmem>>
        %dma_start3A_219 = arith.constant 0 : i32
        %dma_start3A_220 = tpu.memref_slice %arg5[%dma_start3A_219, %mul3A_204] : memref<2x320000xi32, #tpu.memory_space<hbm>> -> memref<2x1280xi32, #tpu.memory_space<hbm>>
        tpu.enqueue_dma source(%dma_start3A_220 : memref<2x1280xi32, #tpu.memory_space<hbm>>) target(%dma_start3A_218 : memref<2x1280xi32, #tpu.memory_space<vmem>>) target_semaphore(%dma_start3A_214 : memref<!tpu.dma_semaphore, #tpu.memory_space<semaphore_mem>>)
        %mul3A_221 = arith.constant 1280 : i32
        %mul3A_222 = arith.muli %add3A_202, %mul3A_221 : i32
        %dma_start3A_223 = arith.constant 1 : i32
        %dma_start3A_224 = arith.constant 1 : i32
        %dma_start3A_225 = arith.constant 0 : i32
        %dma_start3A_226 = arith.constant 0 : i32
        %dma_start3A_227 = tpu.memref_slice %arg12[%dma_start3A_223, %dma_start3A_225, %dma_start3A_226] : memref<2x2x1280xi32, #tpu.memory_space<vmem>> -> memref<1x2x1280xi32, #tpu.memory_space<vmem>>
        %dma_start3A_228 = tpu.memref_squeeze %dma_start3A_227 : memref<1x2x1280xi32, #tpu.memory_space<vmem>> -> memref<2x1280xi32, #tpu.memory_space<vmem>>
        %dma_start3A_229 = tpu.memref_slice %arg3[%mul3A_2, %mul3A_222] : memref<64x320000xi32, #tpu.memory_space<hbm>> -> memref<2x1280xi32, #tpu.memory_space<hbm>>
        %dma_start3A_230 = tpu.memref_slice %arg15[%dma_start3A_224] : memref<2x!tpu.dma_semaphore, #tpu.memory_space<semaphore_mem>> -> memref<1x!tpu.dma_semaphore, #tpu.memory_space<semaphore_mem>>
        %dma_start3A_231 = tpu.memref_squeeze %dma_start3A_230 : memref<1x!tpu.dma_semaphore, #tpu.memory_space<semaphore_mem>> -> memref<!tpu.dma_semaphore, #tpu.memory_space<semaphore_mem>>
        %dma_start3A_232 = arith.constant 0 : i32
        %dma_start3A_233 = arith.constant 0 : i32
        %dma_start3A_234 = tpu.memref_slice %arg12[%dma_start3A_223, %dma_start3A_232, %dma_start3A_233] : memref<2x2x1280xi32, #tpu.memory_space<vmem>> -> memref<1x2x1280xi32, #tpu.memory_space<vmem>>
        %dma_start3A_235 = tpu.memref_squeeze %dma_start3A_234 : memref<1x2x1280xi32, #tpu.memory_space<vmem>> -> memref<2x1280xi32, #tpu.memory_space<vmem>>
        %dma_start3A_236 = tpu.memref_slice %arg3[%mul3A_2, %mul3A_222] : memref<64x320000xi32, #tpu.memory_space<hbm>> -> memref<2x1280xi32, #tpu.memory_space<hbm>>
        tpu.enqueue_dma source(%dma_start3A_236 : memref<2x1280xi32, #tpu.memory_space<hbm>>) target(%dma_start3A_235 : memref<2x1280xi32, #tpu.memory_space<vmem>>) target_semaphore(%dma_start3A_231 : memref<!tpu.dma_semaphore, #tpu.memory_space<semaphore_mem>>)
        %mul3A_237 = arith.constant 1280 : i32
        %mul3A_238 = arith.muli %add3A_202, %mul3A_237 : i32
        %dma_start3A_239 = arith.constant 1 : i32
        %dma_start3A_240 = arith.constant 1 : i32
        %dma_start3A_241 = arith.constant 0 : i32
        %dma_start3A_242 = arith.constant 0 : i32
        %dma_start3A_243 = tpu.memref_slice %arg13[%dma_start3A_239, %dma_start3A_241, %dma_start3A_242] : memref<2x2x1280xi32, #tpu.memory_space<vmem>> -> memref<1x2x1280xi32, #tpu.memory_space<vmem>>
        %dma_start3A_244 = tpu.memref_squeeze %dma_start3A_243 : memref<1x2x1280xi32, #tpu.memory_space<vmem>> -> memref<2x1280xi32, #tpu.memory_space<vmem>>
        %dma_start3A_245 = tpu.memref_slice %arg4[%mul3A_2, %mul3A_238] : memref<64x320000xi32, #tpu.memory_space<hbm>> -> memref<2x1280xi32, #tpu.memory_space<hbm>>
        %dma_start3A_246 = tpu.memref_slice %arg16[%dma_start3A_240] : memref<2x!tpu.dma_semaphore, #tpu.memory_space<semaphore_mem>> -> memref<1x!tpu.dma_semaphore, #tpu.memory_space<semaphore_mem>>
        %dma_start3A_247 = tpu.memref_squeeze %dma_start3A_246 : memref<1x!tpu.dma_semaphore, #tpu.memory_space<semaphore_mem>> -> memref<!tpu.dma_semaphore, #tpu.memory_space<semaphore_mem>>
        %dma_start3A_248 = arith.constant 0 : i32
        %dma_start3A_249 = arith.constant 0 : i32
        %dma_start3A_250 = tpu.memref_slice %arg13[%dma_start3A_239, %dma_start3A_248, %dma_start3A_249] : memref<2x2x1280xi32, #tpu.memory_space<vmem>> -> memref<1x2x1280xi32, #tpu.memory_space<vmem>>
        %dma_start3A_251 = tpu.memref_squeeze %dma_start3A_250 : memref<1x2x1280xi32, #tpu.memory_space<vmem>> -> memref<2x1280xi32, #tpu.memory_space<vmem>>
        %dma_start3A_252 = tpu.memref_slice %arg4[%mul3A_2, %mul3A_238] : memref<64x320000xi32, #tpu.memory_space<hbm>> -> memref<2x1280xi32, #tpu.memory_space<hbm>>
        tpu.enqueue_dma source(%dma_start3A_252 : memref<2x1280xi32, #tpu.memory_space<hbm>>) target(%dma_start3A_251 : memref<2x1280xi32, #tpu.memory_space<vmem>>) target_semaphore(%dma_start3A_247 : memref<!tpu.dma_semaphore, #tpu.memory_space<semaphore_mem>>)
      } else {
      }
      %parallel_loop3A_129 = arith.constant 0 : i32
      %parallel_loop3A_130 = arith.constant 80 : i32
      %parallel_loop3A_131 = arith.constant 1 : i32
      %parallel_loop3A_132 = arith.constant 0 : i32
      %parallel_loop3A_133 = arith.constant 0 : i32
      %parallel_loop3A_134 = arith.constant 0 : i32
      scf.for %parallel_loop3A_201 = %parallel_loop3A_129 to %parallel_loop3A_130 step %parallel_loop3A_131  : i32 {
        %parallel_loop3A_202 = arith.constant 16 : i32
        %parallel_loop3A_203 = arith.muli %parallel_loop3A_201, %parallel_loop3A_202 : i32
        %parallel_loop3A_204 = arith.constant 0 : i32
        %parallel_loop3A_205 = arith.constant 0 : i32
        %parallel_loop3A_206 = arith.constant 0 : i32
        %parallel_loop3A_207 = tpu.memref_slice %arg11[%parallel_loop3A_132, %parallel_loop3A_205, %parallel_loop3A_206] : memref<2x2x1280xi32, #tpu.memory_space<vmem>> -> memref<1x2x1280xi32, #tpu.memory_space<vmem>>
        %parallel_loop3A_208 = tpu.memref_squeeze %parallel_loop3A_207 : memref<1x2x1280xi32, #tpu.memory_space<vmem>> -> memref<2x1280xi32, #tpu.memory_space<vmem>>
        %parallel_loop3A_209 = arith.index_cast %parallel_loop3A_204 : i32 to index
        %parallel_loop3A_210 = arith.index_cast %parallel_loop3A_203 : i32 to index
        %parallel_loop3A_211 = tpu.vector_load %parallel_loop3A_208[%parallel_loop3A_209, %parallel_loop3A_210] {strides = array<i32>} : memref<2x1280xi32, #tpu.memory_space<vmem>>, vector<16xi32>,
        %parallel_loop3A_212 = arith.constant 16 : i32
        %parallel_loop3A_213 = arith.muli %parallel_loop3A_201, %parallel_loop3A_212 : i32
        %parallel_loop3A_214 = arith.constant 1 : i32
        %parallel_loop3A_215 = arith.constant 0 : i32
        %parallel_loop3A_216 = arith.constant 0 : i32
        %parallel_loop3A_217 = tpu.memref_slice %arg11[%parallel_loop3A_132, %parallel_loop3A_215, %parallel_loop3A_216] : memref<2x2x1280xi32, #tpu.memory_space<vmem>> -> memref<1x2x1280xi32, #tpu.memory_space<vmem>>
        %parallel_loop3A_218 = tpu.memref_squeeze %parallel_loop3A_217 : memref<1x2x1280xi32, #tpu.memory_space<vmem>> -> memref<2x1280xi32, #tpu.memory_space<vmem>>
        %parallel_loop3A_219 = arith.index_cast %parallel_loop3A_214 : i32 to index
        %parallel_loop3A_220 = arith.index_cast %parallel_loop3A_213 : i32 to index
        %parallel_loop3A_221 = tpu.vector_load %parallel_loop3A_218[%parallel_loop3A_219, %parallel_loop3A_220] {strides = array<i32>} : memref<2x1280xi32, #tpu.memory_space<vmem>>, vector<16xi32>,
        %parallel_loop3A_222 = arith.constant 0 : i32
        %parallel_loop3A_223 = vector.broadcast %parallel_loop3A_222 : i32 to vector<16xi32>
        %parallel_loop3A_224 = arith.addi %parallel_loop3A_211, %parallel_loop3A_223 : vector<16xi32>
        %parallel_loop3A_225 = tpu.vector_load_idx %arg8[%parallel_loop3A_224] : memref<20000xi32, #tpu.memory_space<vmem>>[vector<16xi32>], vector<16xi32>,
        %parallel_loop3A_226 = vector.bitcast %parallel_loop3A_225 : vector<16xi32> to vector<32xbf16>
        %parallel_loop3A_227 = tpu.unpack_subelements %parallel_loop3A_226, 0 {pack_format = #tpu.pack_format<interleaved>} : vector<32xbf16> -> vector<16xf32>
        %parallel_loop3A_228 = tpu.unpack_subelements %parallel_loop3A_226, 1 {pack_format = #tpu.pack_format<interleaved>} : vector<32xbf16> -> vector<16xf32>
        %parallel_loop3A_229 = arith.constant 16 : i32
        %parallel_loop3A_230 = arith.muli %parallel_loop3A_201, %parallel_loop3A_229 : i32
        %parallel_loop3A_231 = arith.constant 0 : i32
        %parallel_loop3A_232 = arith.constant 0 : i32
        %parallel_loop3A_233 = arith.constant 0 : i32
        %parallel_loop3A_234 = tpu.memref_slice %arg12[%parallel_loop3A_133, %parallel_loop3A_232, %parallel_loop3A_233] : memref<2x2x1280xi32, #tpu.memory_space<vmem>> -> memref<1x2x1280xi32, #tpu.memory_space<vmem>>
        %parallel_loop3A_235 = tpu.memref_squeeze %parallel_loop3A_234 : memref<1x2x1280xi32, #tpu.memory_space<vmem>> -> memref<2x1280xi32, #tpu.memory_space<vmem>>
        %parallel_loop3A_236 = arith.index_cast %parallel_loop3A_231 : i32 to index
        %parallel_loop3A_237 = arith.index_cast %parallel_loop3A_230 : i32 to index
        %parallel_loop3A_238 = tpu.vector_load %parallel_loop3A_235[%parallel_loop3A_236, %parallel_loop3A_237] {strides = array<i32>} : memref<2x1280xi32, #tpu.memory_space<vmem>>, vector<16xi32>,
        %parallel_loop3A_239 = vector.bitcast %parallel_loop3A_238 : vector<16xi32> to vector<32xbf16>
        %parallel_loop3A_240 = tpu.unpack_subelements %parallel_loop3A_239, 0 {pack_format = #tpu.pack_format<interleaved>} : vector<32xbf16> -> vector<16xf32>
        %parallel_loop3A_241 = tpu.unpack_subelements %parallel_loop3A_239, 1 {pack_format = #tpu.pack_format<interleaved>} : vector<32xbf16> -> vector<16xf32>
        %parallel_loop3A_242 = arith.constant 16 : i32
        %parallel_loop3A_243 = arith.muli %parallel_loop3A_201, %parallel_loop3A_242 : i32
        %parallel_loop3A_244 = arith.constant 0 : i32
        %parallel_loop3A_245 = arith.constant 0 : i32
        %parallel_loop3A_246 = arith.constant 0 : i32
        %parallel_loop3A_247 = tpu.memref_slice %arg13[%parallel_loop3A_134, %parallel_loop3A_245, %parallel_loop3A_246] : memref<2x2x1280xi32, #tpu.memory_space<vmem>> -> memref<1x2x1280xi32, #tpu.memory_space<vmem>>
        %parallel_loop3A_248 = tpu.memref_squeeze %parallel_loop3A_247 : memref<1x2x1280xi32, #tpu.memory_space<vmem>> -> memref<2x1280xi32, #tpu.memory_space<vmem>>
        %parallel_loop3A_249 = arith.index_cast %parallel_loop3A_244 : i32 to index
        %parallel_loop3A_250 = arith.index_cast %parallel_loop3A_243 : i32 to index
        %parallel_loop3A_251 = tpu.vector_load %parallel_loop3A_248[%parallel_loop3A_249, %parallel_loop3A_250] {strides = array<i32>} : memref<2x1280xi32, #tpu.memory_space<vmem>>, vector<16xi32>,
        %parallel_loop3A_252 = vector.bitcast %parallel_loop3A_251 : vector<16xi32> to vector<32xbf16>
        %parallel_loop3A_253 = tpu.unpack_subelements %parallel_loop3A_252, 0 {pack_format = #tpu.pack_format<interleaved>} : vector<32xbf16> -> vector<16xf32>
        %parallel_loop3A_254 = tpu.unpack_subelements %parallel_loop3A_252, 1 {pack_format = #tpu.pack_format<interleaved>} : vector<32xbf16> -> vector<16xf32>
        %parallel_loop3A_255 = arith.constant 0 : i32
        %parallel_loop3A_256 = vector.broadcast %parallel_loop3A_255 : i32 to vector<16xi32>
        %parallel_loop3A_257 = arith.addi %parallel_loop3A_221, %parallel_loop3A_256 : vector<16xi32>
        %parallel_loop3A_258 = arith.constant 10000 : i32
        %parallel_loop3A_259 = vector.broadcast %parallel_loop3A_258 : i32 to vector<16xi32>
        %parallel_loop3A_260 = arith.addi %parallel_loop3A_221, %parallel_loop3A_259 : vector<16xi32>
        %parallel_loop3A_261 = arith.mulf %parallel_loop3A_227, %parallel_loop3A_240 : vector<16xf32>
        tpu.vector_store_idx %arg9[%parallel_loop3A_257], %parallel_loop3A_261 {add = true} : memref<40000xf32, #tpu.memory_space<vmem>>[vector<16xi32>], vector<16xf32>,
        %parallel_loop3A_262 = arith.mulf %parallel_loop3A_228, %parallel_loop3A_241 : vector<16xf32>
        tpu.vector_store_idx %arg9[%parallel_loop3A_260], %parallel_loop3A_262 {add = true} : memref<40000xf32, #tpu.memory_space<vmem>>[vector<16xi32>], vector<16xf32>,
        %parallel_loop3A_263 = arith.mulf %parallel_loop3A_227, %parallel_loop3A_253 : vector<16xf32>
        tpu.vector_store_idx %arg10[%parallel_loop3A_257], %parallel_loop3A_263 {add = true} : memref<40000xf32, #tpu.memory_space<vmem>>[vector<16xi32>], vector<16xf32>,
        %parallel_loop3A_264 = arith.mulf %parallel_loop3A_228, %parallel_loop3A_254 : vector<16xf32>
        tpu.vector_store_idx %arg10[%parallel_loop3A_260], %parallel_loop3A_264 {add = true} : memref<40000xf32, #tpu.memory_space<vmem>>[vector<16xi32>], vector<16xf32>,
        %parallel_loop3A_265 = arith.constant 10000 : i32
        %parallel_loop3A_266 = vector.broadcast %parallel_loop3A_265 : i32 to vector<16xi32>
        %parallel_loop3A_267 = arith.addi %parallel_loop3A_211, %parallel_loop3A_266 : vector<16xi32>
        %parallel_loop3A_268 = tpu.vector_load_idx %arg8[%parallel_loop3A_267] : memref<20000xi32, #tpu.memory_space<vmem>>[vector<16xi32>], vector<16xi32>,
        %parallel_loop3A_269 = vector.bitcast %parallel_loop3A_268 : vector<16xi32> to vector<32xbf16>
        %parallel_loop3A_270 = tpu.unpack_subelements %parallel_loop3A_269, 0 {pack_format = #tpu.pack_format<interleaved>} : vector<32xbf16> -> vector<16xf32>
        %parallel_loop3A_271 = tpu.unpack_subelements %parallel_loop3A_269, 1 {pack_format = #tpu.pack_format<interleaved>} : vector<32xbf16> -> vector<16xf32>
        %parallel_loop3A_272 = arith.constant 16 : i32
        %parallel_loop3A_273 = arith.muli %parallel_loop3A_201, %parallel_loop3A_272 : i32
        %parallel_loop3A_274 = arith.constant 1 : i32
        %parallel_loop3A_275 = arith.constant 0 : i32
        %parallel_loop3A_276 = arith.constant 0 : i32
        %parallel_loop3A_277 = tpu.memref_slice %arg12[%parallel_loop3A_133, %parallel_loop3A_275, %parallel_loop3A_276] : memref<2x2x1280xi32, #tpu.memory_space<vmem>> -> memref<1x2x1280xi32, #tpu.memory_space<vmem>>
        %parallel_loop3A_278 = tpu.memref_squeeze %parallel_loop3A_277 : memref<1x2x1280xi32, #tpu.memory_space<vmem>> -> memref<2x1280xi32, #tpu.memory_space<vmem>>
        %parallel_loop3A_279 = arith.index_cast %parallel_loop3A_274 : i32 to index
        %parallel_loop3A_280 = arith.index_cast %parallel_loop3A_273 : i32 to index
        %parallel_loop3A_281 = tpu.vector_load %parallel_loop3A_278[%parallel_loop3A_279, %parallel_loop3A_280] {strides = array<i32>} : memref<2x1280xi32, #tpu.memory_space<vmem>>, vector<16xi32>,
        %parallel_loop3A_282 = vector.bitcast %parallel_loop3A_281 : vector<16xi32> to vector<32xbf16>
        %parallel_loop3A_283 = tpu.unpack_subelements %parallel_loop3A_282, 0 {pack_format = #tpu.pack_format<interleaved>} : vector<32xbf16> -> vector<16xf32>
        %parallel_loop3A_284 = tpu.unpack_subelements %parallel_loop3A_282, 1 {pack_format = #tpu.pack_format<interleaved>} : vector<32xbf16> -> vector<16xf32>
        %parallel_loop3A_285 = arith.constant 16 : i32
        %parallel_loop3A_286 = arith.muli %parallel_loop3A_201, %parallel_loop3A_285 : i32
        %parallel_loop3A_287 = arith.constant 1 : i32
        %parallel_loop3A_288 = arith.constant 0 : i32
        %parallel_loop3A_289 = arith.constant 0 : i32
        %parallel_loop3A_290 = tpu.memref_slice %arg13[%parallel_loop3A_134, %parallel_loop3A_288, %parallel_loop3A_289] : memref<2x2x1280xi32, #tpu.memory_space<vmem>> -> memref<1x2x1280xi32, #tpu.memory_space<vmem>>
        %parallel_loop3A_291 = tpu.memref_squeeze %parallel_loop3A_290 : memref<1x2x1280xi32, #tpu.memory_space<vmem>> -> memref<2x1280xi32, #tpu.memory_space<vmem>>
        %parallel_loop3A_292 = arith.index_cast %parallel_loop3A_287 : i32 to index
        %parallel_loop3A_293 = arith.index_cast %parallel_loop3A_286 : i32 to index
        %parallel_loop3A_294 = tpu.vector_load %parallel_loop3A_291[%parallel_loop3A_292, %parallel_loop3A_293] {strides = array<i32>} : memref<2x1280xi32, #tpu.memory_space<vmem>>, vector<16xi32>,
        %parallel_loop3A_295 = vector.bitcast %parallel_loop3A_294 : vector<16xi32> to vector<32xbf16>
        %parallel_loop3A_296 = tpu.unpack_subelements %parallel_loop3A_295, 0 {pack_format = #tpu.pack_format<interleaved>} : vector<32xbf16> -> vector<16xf32>
        %parallel_loop3A_297 = tpu.unpack_subelements %parallel_loop3A_295, 1 {pack_format = #tpu.pack_format<interleaved>} : vector<32xbf16> -> vector<16xf32>
        %parallel_loop3A_298 = arith.constant 20000 : i32
        %parallel_loop3A_299 = vector.broadcast %parallel_loop3A_298 : i32 to vector<16xi32>
        %parallel_loop3A_300 = arith.addi %parallel_loop3A_221, %parallel_loop3A_299 : vector<16xi32>
        %parallel_loop3A_301 = arith.constant 30000 : i32
        %parallel_loop3A_302 = vector.broadcast %parallel_loop3A_301 : i32 to vector<16xi32>
        %parallel_loop3A_303 = arith.addi %parallel_loop3A_221, %parallel_loop3A_302 : vector<16xi32>
        %parallel_loop3A_304 = arith.mulf %parallel_loop3A_270, %parallel_loop3A_283 : vector<16xf32>
        tpu.vector_store_idx %arg9[%parallel_loop3A_300], %parallel_loop3A_304 {add = true} : memref<40000xf32, #tpu.memory_space<vmem>>[vector<16xi32>], vector<16xf32>,
        %parallel_loop3A_305 = arith.mulf %parallel_loop3A_271, %parallel_loop3A_284 : vector<16xf32>
        tpu.vector_store_idx %arg9[%parallel_loop3A_303], %parallel_loop3A_305 {add = true} : memref<40000xf32, #tpu.memory_space<vmem>>[vector<16xi32>], vector<16xf32>,
        %parallel_loop3A_306 = arith.mulf %parallel_loop3A_270, %parallel_loop3A_296 : vector<16xf32>
        tpu.vector_store_idx %arg10[%parallel_loop3A_300], %parallel_loop3A_306 {add = true} : memref<40000xf32, #tpu.memory_space<vmem>>[vector<16xi32>], vector<16xf32>,
        %parallel_loop3A_307 = arith.mulf %parallel_loop3A_271, %parallel_loop3A_297 : vector<16xf32>
        tpu.vector_store_idx %arg10[%parallel_loop3A_303], %parallel_loop3A_307 {add = true} : memref<40000xf32, #tpu.memory_space<vmem>>[vector<16xi32>], vector<16xf32>,
      } {sc.loop_unroll_factor = 8 : i64, sc.parallel_access}
      %add3A_135 = arith.constant 1 : i32
      %add3A_136 = arith.addi %mul3A_73, %add3A_135 : i32
      %mul3A_137 = arith.constant 1280 : i32
      %mul3A_138 = arith.muli %add3A_136, %mul3A_137 : i32
      %dma_wait3A_139 = arith.constant 1 : i32
      %dma_wait3A_140 = arith.constant 1 : i32
      %dma_wait3A_141 = arith.constant 0 : i32
      %dma_wait3A_142 = arith.constant 0 : i32
      %dma_wait3A_143 = tpu.memref_slice %arg11[%dma_wait3A_139, %dma_wait3A_141, %dma_wait3A_142] : memref<2x2x1280xi32, #tpu.memory_space<vmem>> -> memref<1x2x1280xi32, #tpu.memory_space<vmem>>
      %dma_wait3A_144 = tpu.memref_squeeze %dma_wait3A_143 : memref<1x2x1280xi32, #tpu.memory_space<vmem>> -> memref<2x1280xi32, #tpu.memory_space<vmem>>
      %dma_wait3A_145 = arith.constant 0 : i32
      %dma_wait3A_146 = tpu.memref_slice %arg5[%dma_wait3A_145, %mul3A_138] : memref<2x320000xi32, #tpu.memory_space<hbm>> -> memref<2x1280xi32, #tpu.memory_space<hbm>>
      %dma_wait3A_147 = tpu.memref_slice %arg14[%dma_wait3A_140] : memref<2x!tpu.dma_semaphore, #tpu.memory_space<semaphore_mem>> -> memref<1x!tpu.dma_semaphore, #tpu.memory_space<semaphore_mem>>
      %dma_wait3A_148 = tpu.memref_squeeze %dma_wait3A_147 : memref<1x!tpu.dma_semaphore, #tpu.memory_space<semaphore_mem>> -> memref<!tpu.dma_semaphore, #tpu.memory_space<semaphore_mem>>
      %dma_wait3A_149 = arith.constant 0 : i32
      %dma_wait3A_150 = arith.constant 0 : i32
      %dma_wait3A_151 = tpu.memref_slice %arg11[%dma_wait3A_139, %dma_wait3A_149, %dma_wait3A_150] : memref<2x2x1280xi32, #tpu.memory_space<vmem>> -> memref<1x2x1280xi32, #tpu.memory_space<vmem>>
      %dma_wait3A_152 = tpu.memref_squeeze %dma_wait3A_151 : memref<1x2x1280xi32, #tpu.memory_space<vmem>> -> memref<2x1280xi32, #tpu.memory_space<vmem>>
      %dma_wait3A_153 = arith.constant 0 : i32
      %dma_wait3A_154 = tpu.memref_slice %arg5[%dma_wait3A_153, %mul3A_138] : memref<2x320000xi32, #tpu.memory_space<hbm>> -> memref<2x1280xi32, #tpu.memory_space<hbm>>
      tpu.wait_dma2 semaphore(%dma_wait3A_148 : memref<!tpu.dma_semaphore, #tpu.memory_space<semaphore_mem>>) src(%dma_wait3A_154 : memref<2x1280xi32, #tpu.memory_space<hbm>>) dst(%dma_wait3A_152 : memref<2x1280xi32, #tpu.memory_space<vmem>>)
      %mul3A_155 = arith.constant 1280 : i32
      %mul3A_156 = arith.muli %add3A_136, %mul3A_155 : i32
      %dma_wait3A_157 = arith.constant 1 : i32
      %dma_wait3A_158 = arith.constant 1 : i32
      %dma_wait3A_159 = arith.constant 0 : i32
      %dma_wait3A_160 = arith.constant 0 : i32
      %dma_wait3A_161 = tpu.memref_slice %arg12[%dma_wait3A_157, %dma_wait3A_159, %dma_wait3A_160] : memref<2x2x1280xi32, #tpu.memory_space<vmem>> -> memref<1x2x1280xi32, #tpu.memory_space<vmem>>
      %dma_wait3A_162 = tpu.memref_squeeze %dma_wait3A_161 : memref<1x2x1280xi32, #tpu.memory_space<vmem>> -> memref<2x1280xi32, #tpu.memory_space<vmem>>
      %dma_wait3A_163 = tpu.memref_slice %arg3[%mul3A_2, %mul3A_156] : memref<64x320000xi32, #tpu.memory_space<hbm>> -> memref<2x1280xi32, #tpu.memory_space<hbm>>
      %dma_wait3A_164 = tpu.memref_slice %arg15[%dma_wait3A_158] : memref<2x!tpu.dma_semaphore, #tpu.memory_space<semaphore_mem>> -> memref<1x!tpu.dma_semaphore, #tpu.memory_space<semaphore_mem>>
      %dma_wait3A_165 = tpu.memref_squeeze %dma_wait3A_164 : memref<1x!tpu.dma_semaphore, #tpu.memory_space<semaphore_mem>> -> memref<!tpu.dma_semaphore, #tpu.memory_space<semaphore_mem>>
      %dma_wait3A_166 = arith.constant 0 : i32
      %dma_wait3A_167 = arith.constant 0 : i32
      %dma_wait3A_168 = tpu.memref_slice %arg12[%dma_wait3A_157, %dma_wait3A_166, %dma_wait3A_167] : memref<2x2x1280xi32, #tpu.memory_space<vmem>> -> memref<1x2x1280xi32, #tpu.memory_space<vmem>>
      %dma_wait3A_169 = tpu.memref_squeeze %dma_wait3A_168 : memref<1x2x1280xi32, #tpu.memory_space<vmem>> -> memref<2x1280xi32, #tpu.memory_space<vmem>>
      %dma_wait3A_170 = tpu.memref_slice %arg3[%mul3A_2, %mul3A_156] : memref<64x320000xi32, #tpu.memory_space<hbm>> -> memref<2x1280xi32, #tpu.memory_space<hbm>>
      tpu.wait_dma2 semaphore(%dma_wait3A_165 : memref<!tpu.dma_semaphore, #tpu.memory_space<semaphore_mem>>) src(%dma_wait3A_170 : memref<2x1280xi32, #tpu.memory_space<hbm>>) dst(%dma_wait3A_169 : memref<2x1280xi32, #tpu.memory_space<vmem>>)
      %mul3A_171 = arith.constant 1280 : i32
      %mul3A_172 = arith.muli %add3A_136, %mul3A_171 : i32
      %dma_wait3A_173 = arith.constant 1 : i32
      %dma_wait3A_174 = arith.constant 1 : i32
      %dma_wait3A_175 = arith.constant 0 : i32
      %dma_wait3A_176 = arith.constant 0 : i32
      %dma_wait3A_177 = tpu.memref_slice %arg13[%dma_wait3A_173, %dma_wait3A_175, %dma_wait3A_176] : memref<2x2x1280xi32, #tpu.memory_space<vmem>> -> memref<1x2x1280xi32, #tpu.memory_space<vmem>>
      %dma_wait3A_178 = tpu.memref_squeeze %dma_wait3A_177 : memref<1x2x1280xi32, #tpu.memory_space<vmem>> -> memref<2x1280xi32, #tpu.memory_space<vmem>>
      %dma_wait3A_179 = tpu.memref_slice %arg4[%mul3A_2, %mul3A_172] : memref<64x320000xi32, #tpu.memory_space<hbm>> -> memref<2x1280xi32, #tpu.memory_space<hbm>>
      %dma_wait3A_180 = tpu.memref_slice %arg16[%dma_wait3A_174] : memref<2x!tpu.dma_semaphore, #tpu.memory_space<semaphore_mem>> -> memref<1x!tpu.dma_semaphore, #tpu.memory_space<semaphore_mem>>
      %dma_wait3A_181 = tpu.memref_squeeze %dma_wait3A_180 : memref<1x!tpu.dma_semaphore, #tpu.memory_space<semaphore_mem>> -> memref<!tpu.dma_semaphore, #tpu.memory_space<semaphore_mem>>
      %dma_wait3A_182 = arith.constant 0 : i32
      %dma_wait3A_183 = arith.constant 0 : i32
      %dma_wait3A_184 = tpu.memref_slice %arg13[%dma_wait3A_173, %dma_wait3A_182, %dma_wait3A_183] : memref<2x2x1280xi32, #tpu.memory_space<vmem>> -> memref<1x2x1280xi32, #tpu.memory_space<vmem>>
      %dma_wait3A_185 = tpu.memref_squeeze %dma_wait3A_184 : memref<1x2x1280xi32, #tpu.memory_space<vmem>> -> memref<2x1280xi32, #tpu.memory_space<vmem>>
      %dma_wait3A_186 = tpu.memref_slice %arg4[%mul3A_2, %mul3A_172] : memref<64x320000xi32, #tpu.memory_space<hbm>> -> memref<2x1280xi32, #tpu.memory_space<hbm>>
      tpu.wait_dma2 semaphore(%dma_wait3A_181 : memref<!tpu.dma_semaphore, #tpu.memory_space<semaphore_mem>>) src(%dma_wait3A_186 : memref<2x1280xi32, #tpu.memory_space<hbm>>) dst(%dma_wait3A_185 : memref<2x1280xi32, #tpu.memory_space<vmem>>)
      %add3A_187 = arith.constant 1 : i32
      %add3A_188 = arith.addi %add3A_136, %add3A_187 : i32
      %lt3A_189 = arith.constant 250 : i32
      %lt3A_190 = arith.cmpi slt, %add3A_188, %lt3A_189 : i32
      %convert_element_type3A_191 = arith.extui %lt3A_190 : i1 to i32
      %cond3A_192 = arith.constant 0 : i32
      %cond3A_193 = arith.cmpi ne, %convert_element_type3A_191, %cond3A_192 : i32
      scf.if %cond3A_193 {
        %add3A_201 = arith.constant 1 : i32
        %add3A_202 = arith.addi %add3A_136, %add3A_201 : i32
        %mul3A_203 = arith.constant 1280 : i32
        %mul3A_204 = arith.muli %add3A_202, %mul3A_203 : i32
        %dma_start3A_205 = arith.constant 0 : i32
        %dma_start3A_206 = arith.constant 0 : i32
        %dma_start3A_207 = arith.constant 0 : i32
        %dma_start3A_208 = arith.constant 0 : i32
        %dma_start3A_209 = tpu.memref_slice %arg11[%dma_start3A_205, %dma_start3A_207, %dma_start3A_208] : memref<2x2x1280xi32, #tpu.memory_space<vmem>> -> memref<1x2x1280xi32, #tpu.memory_space<vmem>>
        %dma_start3A_210 = tpu.memref_squeeze %dma_start3A_209 : memref<1x2x1280xi32, #tpu.memory_space<vmem>> -> memref<2x1280xi32, #tpu.memory_space<vmem>>
        %dma_start3A_211 = arith.constant 0 : i32
        %dma_start3A_212 = tpu.memref_slice %arg5[%dma_start3A_211, %mul3A_204] : memref<2x320000xi32, #tpu.memory_space<hbm>> -> memref<2x1280xi32, #tpu.memory_space<hbm>>
        %dma_start3A_213 = tpu.memref_slice %arg14[%dma_start3A_206] : memref<2x!tpu.dma_semaphore, #tpu.memory_space<semaphore_mem>> -> memref<1x!tpu.dma_semaphore, #tpu.memory_space<semaphore_mem>>
        %dma_start3A_214 = tpu.memref_squeeze %dma_start3A_213 : memref<1x!tpu.dma_semaphore, #tpu.memory_space<semaphore_mem>> -> memref<!tpu.dma_semaphore, #tpu.memory_space<semaphore_mem>>
        %dma_start3A_215 = arith.constant 0 : i32
        %dma_start3A_216 = arith.constant 0 : i32
        %dma_start3A_217 = tpu.memref_slice %arg11[%dma_start3A_205, %dma_start3A_215, %dma_start3A_216] : memref<2x2x1280xi32, #tpu.memory_space<vmem>> -> memref<1x2x1280xi32, #tpu.memory_space<vmem>>
        %dma_start3A_218 = tpu.memref_squeeze %dma_start3A_217 : memref<1x2x1280xi32, #tpu.memory_space<vmem>> -> memref<2x1280xi32, #tpu.memory_space<vmem>>
        %dma_start3A_219 = arith.constant 0 : i32
        %dma_start3A_220 = tpu.memref_slice %arg5[%dma_start3A_219, %mul3A_204] : memref<2x320000xi32, #tpu.memory_space<hbm>> -> memref<2x1280xi32, #tpu.memory_space<hbm>>
        tpu.enqueue_dma source(%dma_start3A_220 : memref<2x1280xi32, #tpu.memory_space<hbm>>) target(%dma_start3A_218 : memref<2x1280xi32, #tpu.memory_space<vmem>>) target_semaphore(%dma_start3A_214 : memref<!tpu.dma_semaphore, #tpu.memory_space<semaphore_mem>>)
        %mul3A_221 = arith.constant 1280 : i32
        %mul3A_222 = arith.muli %add3A_202, %mul3A_221 : i32
        %dma_start3A_223 = arith.constant 0 : i32
        %dma_start3A_224 = arith.constant 0 : i32
        %dma_start3A_225 = arith.constant 0 : i32
        %dma_start3A_226 = arith.constant 0 : i32
        %dma_start3A_227 = tpu.memref_slice %arg12[%dma_start3A_223, %dma_start3A_225, %dma_start3A_226] : memref<2x2x1280xi32, #tpu.memory_space<vmem>> -> memref<1x2x1280xi32, #tpu.memory_space<vmem>>
        %dma_start3A_228 = tpu.memref_squeeze %dma_start3A_227 : memref<1x2x1280xi32, #tpu.memory_space<vmem>> -> memref<2x1280xi32, #tpu.memory_space<vmem>>
        %dma_start3A_229 = tpu.memref_slice %arg3[%mul3A_2, %mul3A_222] : memref<64x320000xi32, #tpu.memory_space<hbm>> -> memref<2x1280xi32, #tpu.memory_space<hbm>>
        %dma_start3A_230 = tpu.memref_slice %arg15[%dma_start3A_224] : memref<2x!tpu.dma_semaphore, #tpu.memory_space<semaphore_mem>> -> memref<1x!tpu.dma_semaphore, #tpu.memory_space<semaphore_mem>>
        %dma_start3A_231 = tpu.memref_squeeze %dma_start3A_230 : memref<1x!tpu.dma_semaphore, #tpu.memory_space<semaphore_mem>> -> memref<!tpu.dma_semaphore, #tpu.memory_space<semaphore_mem>>
        %dma_start3A_232 = arith.constant 0 : i32
        %dma_start3A_233 = arith.constant 0 : i32
        %dma_start3A_234 = tpu.memref_slice %arg12[%dma_start3A_223, %dma_start3A_232, %dma_start3A_233] : memref<2x2x1280xi32, #tpu.memory_space<vmem>> -> memref<1x2x1280xi32, #tpu.memory_space<vmem>>
        %dma_start3A_235 = tpu.memref_squeeze %dma_start3A_234 : memref<1x2x1280xi32, #tpu.memory_space<vmem>> -> memref<2x1280xi32, #tpu.memory_space<vmem>>
        %dma_start3A_236 = tpu.memref_slice %arg3[%mul3A_2, %mul3A_222] : memref<64x320000xi32, #tpu.memory_space<hbm>> -> memref<2x1280xi32, #tpu.memory_space<hbm>>
        tpu.enqueue_dma source(%dma_start3A_236 : memref<2x1280xi32, #tpu.memory_space<hbm>>) target(%dma_start3A_235 : memref<2x1280xi32, #tpu.memory_space<vmem>>) target_semaphore(%dma_start3A_231 : memref<!tpu.dma_semaphore, #tpu.memory_space<semaphore_mem>>)
        %mul3A_237 = arith.constant 1280 : i32
        %mul3A_238 = arith.muli %add3A_202, %mul3A_237 : i32
        %dma_start3A_239 = arith.constant 0 : i32
        %dma_start3A_240 = arith.constant 0 : i32
        %dma_start3A_241 = arith.constant 0 : i32
        %dma_start3A_242 = arith.constant 0 : i32
        %dma_start3A_243 = tpu.memref_slice %arg13[%dma_start3A_239, %dma_start3A_241, %dma_start3A_242] : memref<2x2x1280xi32, #tpu.memory_space<vmem>> -> memref<1x2x1280xi32, #tpu.memory_space<vmem>>
        %dma_start3A_244 = tpu.memref_squeeze %dma_start3A_243 : memref<1x2x1280xi32, #tpu.memory_space<vmem>> -> memref<2x1280xi32, #tpu.memory_space<vmem>>
        %dma_start3A_245 = tpu.memref_slice %arg4[%mul3A_2, %mul3A_238] : memref<64x320000xi32, #tpu.memory_space<hbm>> -> memref<2x1280xi32, #tpu.memory_space<hbm>>
        %dma_start3A_246 = tpu.memref_slice %arg16[%dma_start3A_240] : memref<2x!tpu.dma_semaphore, #tpu.memory_space<semaphore_mem>> -> memref<1x!tpu.dma_semaphore, #tpu.memory_space<semaphore_mem>>
        %dma_start3A_247 = tpu.memref_squeeze %dma_start3A_246 : memref<1x!tpu.dma_semaphore, #tpu.memory_space<semaphore_mem>> -> memref<!tpu.dma_semaphore, #tpu.memory_space<semaphore_mem>>
        %dma_start3A_248 = arith.constant 0 : i32
        %dma_start3A_249 = arith.constant 0 : i32
        %dma_start3A_250 = tpu.memref_slice %arg13[%dma_start3A_239, %dma_start3A_248, %dma_start3A_249] : memref<2x2x1280xi32, #tpu.memory_space<vmem>> -> memref<1x2x1280xi32, #tpu.memory_space<vmem>>
        %dma_start3A_251 = tpu.memref_squeeze %dma_start3A_250 : memref<1x2x1280xi32, #tpu.memory_space<vmem>> -> memref<2x1280xi32, #tpu.memory_space<vmem>>
        %dma_start3A_252 = tpu.memref_slice %arg4[%mul3A_2, %mul3A_238] : memref<64x320000xi32, #tpu.memory_space<hbm>> -> memref<2x1280xi32, #tpu.memory_space<hbm>>
        tpu.enqueue_dma source(%dma_start3A_252 : memref<2x1280xi32, #tpu.memory_space<hbm>>) target(%dma_start3A_251 : memref<2x1280xi32, #tpu.memory_space<vmem>>) target_semaphore(%dma_start3A_247 : memref<!tpu.dma_semaphore, #tpu.memory_space<semaphore_mem>>)
      } else {
      }
      %parallel_loop3A_194 = arith.constant 0 : i32
      %parallel_loop3A_195 = arith.constant 80 : i32
      %parallel_loop3A_196 = arith.constant 1 : i32
      %parallel_loop3A_197 = arith.constant 1 : i32
      %parallel_loop3A_198 = arith.constant 1 : i32
      %parallel_loop3A_199 = arith.constant 1 : i32
      scf.for %parallel_loop3A_201 = %parallel_loop3A_194 to %parallel_loop3A_195 step %parallel_loop3A_196  : i32 {
        %parallel_loop3A_202 = arith.constant 16 : i32
        %parallel_loop3A_203 = arith.muli %parallel_loop3A_201, %parallel_loop3A_202 : i32
        %parallel_loop3A_204 = arith.constant 0 : i32
        %parallel_loop3A_205 = arith.constant 0 : i32
        %parallel_loop3A_206 = arith.constant 0 : i32
        %parallel_loop3A_207 = tpu.memref_slice %arg11[%parallel_loop3A_197, %parallel_loop3A_205, %parallel_loop3A_206] : memref<2x2x1280xi32, #tpu.memory_space<vmem>> -> memref<1x2x1280xi32, #tpu.memory_space<vmem>>
        %parallel_loop3A_208 = tpu.memref_squeeze %parallel_loop3A_207 : memref<1x2x1280xi32, #tpu.memory_space<vmem>> -> memref<2x1280xi32, #tpu.memory_space<vmem>>
        %parallel_loop3A_209 = arith.index_cast %parallel_loop3A_204 : i32 to index
        %parallel_loop3A_210 = arith.index_cast %parallel_loop3A_203 : i32 to index
        %parallel_loop3A_211 = tpu.vector_load %parallel_loop3A_208[%parallel_loop3A_209, %parallel_loop3A_210] {strides = array<i32>} : memref<2x1280xi32, #tpu.memory_space<vmem>>, vector<16xi32>,
        %parallel_loop3A_212 = arith.constant 16 : i32
        %parallel_loop3A_213 = arith.muli %parallel_loop3A_201, %parallel_loop3A_212 : i32
        %parallel_loop3A_214 = arith.constant 1 : i32
        %parallel_loop3A_215 = arith.constant 0 : i32
        %parallel_loop3A_216 = arith.constant 0 : i32
        %parallel_loop3A_217 = tpu.memref_slice %arg11[%parallel_loop3A_197, %parallel_loop3A_215, %parallel_loop3A_216] : memref<2x2x1280xi32, #tpu.memory_space<vmem>> -> memref<1x2x1280xi32, #tpu.memory_space<vmem>>
        %parallel_loop3A_218 = tpu.memref_squeeze %parallel_loop3A_217 : memref<1x2x1280xi32, #tpu.memory_space<vmem>> -> memref<2x1280xi32, #tpu.memory_space<vmem>>
        %parallel_loop3A_219 = arith.index_cast %parallel_loop3A_214 : i32 to index
        %parallel_loop3A_220 = arith.index_cast %parallel_loop3A_213 : i32 to index
        %parallel_loop3A_221 = tpu.vector_load %parallel_loop3A_218[%parallel_loop3A_219, %parallel_loop3A_220] {strides = array<i32>} : memref<2x1280xi32, #tpu.memory_space<vmem>>, vector<16xi32>,
        %parallel_loop3A_222 = arith.constant 0 : i32
        %parallel_loop3A_223 = vector.broadcast %parallel_loop3A_222 : i32 to vector<16xi32>
        %parallel_loop3A_224 = arith.addi %parallel_loop3A_211, %parallel_loop3A_223 : vector<16xi32>
        %parallel_loop3A_225 = tpu.vector_load_idx %arg8[%parallel_loop3A_224] : memref<20000xi32, #tpu.memory_space<vmem>>[vector<16xi32>], vector<16xi32>,
        %parallel_loop3A_226 = vector.bitcast %parallel_loop3A_225 : vector<16xi32> to vector<32xbf16>
        %parallel_loop3A_227 = tpu.unpack_subelements %parallel_loop3A_226, 0 {pack_format = #tpu.pack_format<interleaved>} : vector<32xbf16> -> vector<16xf32>
        %parallel_loop3A_228 = tpu.unpack_subelements %parallel_loop3A_226, 1 {pack_format = #tpu.pack_format<interleaved>} : vector<32xbf16> -> vector<16xf32>
        %parallel_loop3A_229 = arith.constant 16 : i32
        %parallel_loop3A_230 = arith.muli %parallel_loop3A_201, %parallel_loop3A_229 : i32
        %parallel_loop3A_231 = arith.constant 0 : i32
        %parallel_loop3A_232 = arith.constant 0 : i32
        %parallel_loop3A_233 = arith.constant 0 : i32
        %parallel_loop3A_234 = tpu.memref_slice %arg12[%parallel_loop3A_198, %parallel_loop3A_232, %parallel_loop3A_233] : memref<2x2x1280xi32, #tpu.memory_space<vmem>> -> memref<1x2x1280xi32, #tpu.memory_space<vmem>>
        %parallel_loop3A_235 = tpu.memref_squeeze %parallel_loop3A_234 : memref<1x2x1280xi32, #tpu.memory_space<vmem>> -> memref<2x1280xi32, #tpu.memory_space<vmem>>
        %parallel_loop3A_236 = arith.index_cast %parallel_loop3A_231 : i32 to index
        %parallel_loop3A_237 = arith.index_cast %parallel_loop3A_230 : i32 to index
        %parallel_loop3A_238 = tpu.vector_load %parallel_loop3A_235[%parallel_loop3A_236, %parallel_loop3A_237] {strides = array<i32>} : memref<2x1280xi32, #tpu.memory_space<vmem>>, vector<16xi32>,
        %parallel_loop3A_239 = vector.bitcast %parallel_loop3A_238 : vector<16xi32> to vector<32xbf16>
        %parallel_loop3A_240 = tpu.unpack_subelements %parallel_loop3A_239, 0 {pack_format = #tpu.pack_format<interleaved>} : vector<32xbf16> -> vector<16xf32>
        %parallel_loop3A_241 = tpu.unpack_subelements %parallel_loop3A_239, 1 {pack_format = #tpu.pack_format<interleaved>} : vector<32xbf16> -> vector<16xf32>
        %parallel_loop3A_242 = arith.constant 16 : i32
        %parallel_loop3A_243 = arith.muli %parallel_loop3A_201, %parallel_loop3A_242 : i32
        %parallel_loop3A_244 = arith.constant 0 : i32
        %parallel_loop3A_245 = arith.constant 0 : i32
        %parallel_loop3A_246 = arith.constant 0 : i32
        %parallel_loop3A_247 = tpu.memref_slice %arg13[%parallel_loop3A_199, %parallel_loop3A_245, %parallel_loop3A_246] : memref<2x2x1280xi32, #tpu.memory_space<vmem>> -> memref<1x2x1280xi32, #tpu.memory_space<vmem>>
        %parallel_loop3A_248 = tpu.memref_squeeze %parallel_loop3A_247 : memref<1x2x1280xi32, #tpu.memory_space<vmem>> -> memref<2x1280xi32, #tpu.memory_space<vmem>>
        %parallel_loop3A_249 = arith.index_cast %parallel_loop3A_244 : i32 to index
        %parallel_loop3A_250 = arith.index_cast %parallel_loop3A_243 : i32 to index
        %parallel_loop3A_251 = tpu.vector_load %parallel_loop3A_248[%parallel_loop3A_249, %parallel_loop3A_250] {strides = array<i32>} : memref<2x1280xi32, #tpu.memory_space<vmem>>, vector<16xi32>,
        %parallel_loop3A_252 = vector.bitcast %parallel_loop3A_251 : vector<16xi32> to vector<32xbf16>
        %parallel_loop3A_253 = tpu.unpack_subelements %parallel_loop3A_252, 0 {pack_format = #tpu.pack_format<interleaved>} : vector<32xbf16> -> vector<16xf32>
        %parallel_loop3A_254 = tpu.unpack_subelements %parallel_loop3A_252, 1 {pack_format = #tpu.pack_format<interleaved>} : vector<32xbf16> -> vector<16xf32>
        %parallel_loop3A_255 = arith.constant 0 : i32
        %parallel_loop3A_256 = vector.broadcast %parallel_loop3A_255 : i32 to vector<16xi32>
        %parallel_loop3A_257 = arith.addi %parallel_loop3A_221, %parallel_loop3A_256 : vector<16xi32>
        %parallel_loop3A_258 = arith.constant 10000 : i32
        %parallel_loop3A_259 = vector.broadcast %parallel_loop3A_258 : i32 to vector<16xi32>
        %parallel_loop3A_260 = arith.addi %parallel_loop3A_221, %parallel_loop3A_259 : vector<16xi32>
        %parallel_loop3A_261 = arith.mulf %parallel_loop3A_227, %parallel_loop3A_240 : vector<16xf32>
        tpu.vector_store_idx %arg9[%parallel_loop3A_257], %parallel_loop3A_261 {add = true} : memref<40000xf32, #tpu.memory_space<vmem>>[vector<16xi32>], vector<16xf32>,
        %parallel_loop3A_262 = arith.mulf %parallel_loop3A_228, %parallel_loop3A_241 : vector<16xf32>
        tpu.vector_store_idx %arg9[%parallel_loop3A_260], %parallel_loop3A_262 {add = true} : memref<40000xf32, #tpu.memory_space<vmem>>[vector<16xi32>], vector<16xf32>,
        %parallel_loop3A_263 = arith.mulf %parallel_loop3A_227, %parallel_loop3A_253 : vector<16xf32>
        tpu.vector_store_idx %arg10[%parallel_loop3A_257], %parallel_loop3A_263 {add = true} : memref<40000xf32, #tpu.memory_space<vmem>>[vector<16xi32>], vector<16xf32>,
        %parallel_loop3A_264 = arith.mulf %parallel_loop3A_228, %parallel_loop3A_254 : vector<16xf32>
        tpu.vector_store_idx %arg10[%parallel_loop3A_260], %parallel_loop3A_264 {add = true} : memref<40000xf32, #tpu.memory_space<vmem>>[vector<16xi32>], vector<16xf32>,
        %parallel_loop3A_265 = arith.constant 10000 : i32
        %parallel_loop3A_266 = vector.broadcast %parallel_loop3A_265 : i32 to vector<16xi32>
        %parallel_loop3A_267 = arith.addi %parallel_loop3A_211, %parallel_loop3A_266 : vector<16xi32>
        %parallel_loop3A_268 = tpu.vector_load_idx %arg8[%parallel_loop3A_267] : memref<20000xi32, #tpu.memory_space<vmem>>[vector<16xi32>], vector<16xi32>,
        %parallel_loop3A_269 = vector.bitcast %parallel_loop3A_268 : vector<16xi32> to vector<32xbf16>
        %parallel_loop3A_270 = tpu.unpack_subelements %parallel_loop3A_269, 0 {pack_format = #tpu.pack_format<interleaved>} : vector<32xbf16> -> vector<16xf32>
        %parallel_loop3A_271 = tpu.unpack_subelements %parallel_loop3A_269, 1 {pack_format = #tpu.pack_format<interleaved>} : vector<32xbf16> -> vector<16xf32>
        %parallel_loop3A_272 = arith.constant 16 : i32
        %parallel_loop3A_273 = arith.muli %parallel_loop3A_201, %parallel_loop3A_272 : i32
        %parallel_loop3A_274 = arith.constant 1 : i32
        %parallel_loop3A_275 = arith.constant 0 : i32
        %parallel_loop3A_276 = arith.constant 0 : i32
        %parallel_loop3A_277 = tpu.memref_slice %arg12[%parallel_loop3A_198, %parallel_loop3A_275, %parallel_loop3A_276] : memref<2x2x1280xi32, #tpu.memory_space<vmem>> -> memref<1x2x1280xi32, #tpu.memory_space<vmem>>
        %parallel_loop3A_278 = tpu.memref_squeeze %parallel_loop3A_277 : memref<1x2x1280xi32, #tpu.memory_space<vmem>> -> memref<2x1280xi32, #tpu.memory_space<vmem>>
        %parallel_loop3A_279 = arith.index_cast %parallel_loop3A_274 : i32 to index
        %parallel_loop3A_280 = arith.index_cast %parallel_loop3A_273 : i32 to index
        %parallel_loop3A_281 = tpu.vector_load %parallel_loop3A_278[%parallel_loop3A_279, %parallel_loop3A_280] {strides = array<i32>} : memref<2x1280xi32, #tpu.memory_space<vmem>>, vector<16xi32>,
        %parallel_loop3A_282 = vector.bitcast %parallel_loop3A_281 : vector<16xi32> to vector<32xbf16>
        %parallel_loop3A_283 = tpu.unpack_subelements %parallel_loop3A_282, 0 {pack_format = #tpu.pack_format<interleaved>} : vector<32xbf16> -> vector<16xf32>
        %parallel_loop3A_284 = tpu.unpack_subelements %parallel_loop3A_282, 1 {pack_format = #tpu.pack_format<interleaved>} : vector<32xbf16> -> vector<16xf32>
        %parallel_loop3A_285 = arith.constant 16 : i32
        %parallel_loop3A_286 = arith.muli %parallel_loop3A_201, %parallel_loop3A_285 : i32
        %parallel_loop3A_287 = arith.constant 1 : i32
        %parallel_loop3A_288 = arith.constant 0 : i32
        %parallel_loop3A_289 = arith.constant 0 : i32
        %parallel_loop3A_290 = tpu.memref_slice %arg13[%parallel_loop3A_199, %parallel_loop3A_288, %parallel_loop3A_289] : memref<2x2x1280xi32, #tpu.memory_space<vmem>> -> memref<1x2x1280xi32, #tpu.memory_space<vmem>>
        %parallel_loop3A_291 = tpu.memref_squeeze %parallel_loop3A_290 : memref<1x2x1280xi32, #tpu.memory_space<vmem>> -> memref<2x1280xi32, #tpu.memory_space<vmem>>
        %parallel_loop3A_292 = arith.index_cast %parallel_loop3A_287 : i32 to index
        %parallel_loop3A_293 = arith.index_cast %parallel_loop3A_286 : i32 to index
        %parallel_loop3A_294 = tpu.vector_load %parallel_loop3A_291[%parallel_loop3A_292, %parallel_loop3A_293] {strides = array<i32>} : memref<2x1280xi32, #tpu.memory_space<vmem>>, vector<16xi32>,
        %parallel_loop3A_295 = vector.bitcast %parallel_loop3A_294 : vector<16xi32> to vector<32xbf16>
        %parallel_loop3A_296 = tpu.unpack_subelements %parallel_loop3A_295, 0 {pack_format = #tpu.pack_format<interleaved>} : vector<32xbf16> -> vector<16xf32>
        %parallel_loop3A_297 = tpu.unpack_subelements %parallel_loop3A_295, 1 {pack_format = #tpu.pack_format<interleaved>} : vector<32xbf16> -> vector<16xf32>
        %parallel_loop3A_298 = arith.constant 20000 : i32
        %parallel_loop3A_299 = vector.broadcast %parallel_loop3A_298 : i32 to vector<16xi32>
        %parallel_loop3A_300 = arith.addi %parallel_loop3A_221, %parallel_loop3A_299 : vector<16xi32>
        %parallel_loop3A_301 = arith.constant 30000 : i32
        %parallel_loop3A_302 = vector.broadcast %parallel_loop3A_301 : i32 to vector<16xi32>
        %parallel_loop3A_303 = arith.addi %parallel_loop3A_221, %parallel_loop3A_302 : vector<16xi32>
        %parallel_loop3A_304 = arith.mulf %parallel_loop3A_270, %parallel_loop3A_283 : vector<16xf32>
        tpu.vector_store_idx %arg9[%parallel_loop3A_300], %parallel_loop3A_304 {add = true} : memref<40000xf32, #tpu.memory_space<vmem>>[vector<16xi32>], vector<16xf32>,
        %parallel_loop3A_305 = arith.mulf %parallel_loop3A_271, %parallel_loop3A_284 : vector<16xf32>
        tpu.vector_store_idx %arg9[%parallel_loop3A_303], %parallel_loop3A_305 {add = true} : memref<40000xf32, #tpu.memory_space<vmem>>[vector<16xi32>], vector<16xf32>,
        %parallel_loop3A_306 = arith.mulf %parallel_loop3A_270, %parallel_loop3A_296 : vector<16xf32>
        tpu.vector_store_idx %arg10[%parallel_loop3A_300], %parallel_loop3A_306 {add = true} : memref<40000xf32, #tpu.memory_space<vmem>>[vector<16xi32>], vector<16xf32>,
        %parallel_loop3A_307 = arith.mulf %parallel_loop3A_271, %parallel_loop3A_297 : vector<16xf32>
        tpu.vector_store_idx %arg10[%parallel_loop3A_303], %parallel_loop3A_307 {add = true} : memref<40000xf32, #tpu.memory_space<vmem>>[vector<16xi32>], vector<16xf32>,
      } {sc.loop_unroll_factor = 8 : i64, sc.parallel_access}
      %scan3A_200 = arith.constant 0 : i32
      scf.yield %scan3A_200 : i32
    }
    %scan3A_61 = arith.constant 125 : i32
    %mul3A_62 = arith.constant 2 : i32
    %mul3A_63 = arith.muli %mul3A_2, %mul3A_62 : i32
    %mul3A_64 = arith.constant 10000 : i32
    %mul3A_65 = arith.muli %mul3A_63, %mul3A_64 : i32
    "tpu.region"() ({
      %run_scoped3A = tpu.sem_alloc : memref<!tpu.dma_semaphore, #tpu.memory_space<semaphore_mem>>
      %dma_start3A_70 = tpu.memref_slice %arg6[%mul3A_65] : memref<1280000xf32, #tpu.memory_space<hbm>> -> memref<40000xf32, #tpu.memory_space<hbm>>
      %dma_start3A_71 = tpu.memref_slice %arg6[%mul3A_65] : memref<1280000xf32, #tpu.memory_space<hbm>> -> memref<40000xf32, #tpu.memory_space<hbm>>
      tpu.enqueue_dma source(%arg9 : memref<40000xf32, #tpu.memory_space<vmem>>) target(%dma_start3A_71 : memref<40000xf32, #tpu.memory_space<hbm>>) target_semaphore(%run_scoped3A : memref<!tpu.dma_semaphore, #tpu.memory_space<semaphore_mem>>)
      %dma_wait3A = tpu.memref_slice %arg6[%mul3A_65] : memref<1280000xf32, #tpu.memory_space<hbm>> -> memref<40000xf32, #tpu.memory_space<hbm>>
      %dma_wait3A_72 = tpu.memref_slice %arg6[%mul3A_65] : memref<1280000xf32, #tpu.memory_space<hbm>> -> memref<40000xf32, #tpu.memory_space<hbm>>
      tpu.wait_dma2 semaphore(%run_scoped3A : memref<!tpu.dma_semaphore, #tpu.memory_space<semaphore_mem>>) src(%arg9 : memref<40000xf32, #tpu.memory_space<vmem>>) dst(%dma_wait3A_72 : memref<40000xf32, #tpu.memory_space<hbm>>)
      tpu.yield
    }) : () -> ()
    %mul3A_66 = arith.constant 2 : i32
    %mul3A_67 = arith.muli %mul3A_2, %mul3A_66 : i32
    %mul3A_68 = arith.constant 10000 : i32
    %mul3A_69 = arith.muli %mul3A_67, %mul3A_68 : i32
    "tpu.region"() ({
      %run_scoped3A = tpu.sem_alloc : memref<!tpu.dma_semaphore, #tpu.memory_space<semaphore_mem>>
      %dma_start3A_70 = tpu.memref_slice %arg7[%mul3A_69] : memref<1280000xf32, #tpu.memory_space<hbm>> -> memref<40000xf32, #tpu.memory_space<hbm>>
      %dma_start3A_71 = tpu.memref_slice %arg7[%mul3A_69] : memref<1280000xf32, #tpu.memory_space<hbm>> -> memref<40000xf32, #tpu.memory_space<hbm>>
      tpu.enqueue_dma source(%arg10 : memref<40000xf32, #tpu.memory_space<vmem>>) target(%dma_start3A_71 : memref<40000xf32, #tpu.memory_space<hbm>>) target_semaphore(%run_scoped3A : memref<!tpu.dma_semaphore, #tpu.memory_space<semaphore_mem>>)
      %dma_wait3A = tpu.memref_slice %arg7[%mul3A_69] : memref<1280000xf32, #tpu.memory_space<hbm>> -> memref<40000xf32, #tpu.memory_space<hbm>>
      %dma_wait3A_72 = tpu.memref_slice %arg7[%mul3A_69] : memref<1280000xf32, #tpu.memory_space<hbm>> -> memref<40000xf32, #tpu.memory_space<hbm>>
      tpu.wait_dma2 semaphore(%run_scoped3A : memref<!tpu.dma_semaphore, #tpu.memory_space<semaphore_mem>>) src(%arg10 : memref<40000xf32, #tpu.memory_space<vmem>>) dst(%dma_wait3A_72 : memref<40000xf32, #tpu.memory_space<hbm>>)
      tpu.yield
    }) : () -> ()
    return
  }
}

module attributes {stable_mosaic.version = 14 : i64} {
  func.func @_prologue_kernel(%arg0: memref<10000x128xf32, #tpu.memory_space<vmem>>, %arg1: memref<128x128xf32, #tpu.memory_space<vmem>>, %arg2: memref<64x128xf32, #tpu.memory_space<vmem>>, %arg3: memref<64x128xf32, #tpu.memory_space<vmem>>, %arg4: memref<1x128xf32, #tpu.memory_space<vmem>>, %arg5: memref<64x1xf32, #tpu.memory_space<vmem>>, %arg6: memref<64x1xf32, #tpu.memory_space<vmem>>, %arg7: memref<64x12xf32, #tpu.memory_space<vmem>>, %arg8: memref<128x64xf32, #tpu.memory_space<vmem>>, %arg9: memref<64x6xf32, #tpu.memory_space<vmem>>, %arg10: memref<128x64xf32, #tpu.memory_space<vmem>>, %arg11: memref<10000x128xf32, #tpu.memory_space<vmem>>, %arg12: memref<64x10000xi32, #tpu.memory_space<vmem>>, %arg13: memref<128x12xf32, #tpu.memory_space<vmem>>, %arg14: memref<128x6xf32, #tpu.memory_space<vmem>>) attributes {dimension_semantics = [], scalar_prefetch = 0 : i64, scratch_operands = 0 : i64, tpu.core_type = #tpu.core_type<tc>} {
    %get3A = arith.constant 0 : index
    %get3A_0 = arith.constant 0 : index
    %get3A_1 = vector.load %arg0[%get3A, %get3A_0] : memref<10000x128xf32, #tpu.memory_space<vmem>>, vector<10000x128xf32>
    %get3A_2 = arith.constant 0 : index
    %get3A_3 = arith.constant 0 : index
    %get3A_4 = vector.load %arg1[%get3A_2, %get3A_3] : memref<128x128xf32, #tpu.memory_space<vmem>>, vector<128x128xf32>
    %dot_general3A = arith.constant dense<0.000000e+00> : vector<10000x128xf32>
    %dot_general3A_5 = tpu.matmul %get3A_1, %get3A_4, %dot_general3A {dimension_numbers = #tpu.dot_dimension_numbers<[1], [1], [0], [0], [0, 0, 1, 0], [], []>, transpose_lhs_hint = false} : vector<10000x128xf32>, vector<128x128xf32>, vector<10000x128xf32> -> vector<10000x128xf32>
    %get3A_6 = arith.constant 0 : index
    %get3A_7 = arith.constant 0 : index
    %get3A_8 = vector.load %arg4[%get3A_6, %get3A_7] : memref<1x128xf32, #tpu.memory_space<vmem>>, vector<1x128xf32>
    %add3A = vector.broadcast %get3A_8 : vector<1x128xf32> to vector<10000x128xf32>
    %add3A_9 = arith.addf %dot_general3A_5, %add3A : vector<10000x128xf32>
    %logistic3A = arith.negf %add3A_9 : vector<10000x128xf32>
    %logistic3A_10 = math.exp %logistic3A : vector<10000x128xf32>
    %logistic3A_11 = arith.constant 1.000000e+00 : f32
    %logistic3A_12 = vector.broadcast %logistic3A_11 : f32 to vector<10000x128xf32>
    %logistic3A_13 = arith.addf %logistic3A_12, %logistic3A_10 : vector<10000x128xf32>
    %logistic3A_14 = arith.divf %logistic3A_12, %logistic3A_13 : vector<10000x128xf32>
    %mul3A = arith.mulf %add3A_9, %logistic3A_14 : vector<10000x128xf32>
    %swap3A = arith.constant 0 : index
    %swap3A_15 = arith.constant 0 : index
    %swap3A_16 = vector.load %arg11[%swap3A, %swap3A_15] : memref<10000x128xf32, #tpu.memory_space<vmem>>, vector<10000x128xf32>
    tpu.vector_store %arg11[%swap3A, %swap3A_15], %mul3A {strides = array<i32>} : memref<10000x128xf32, #tpu.memory_space<vmem>>, vector<10000x128xf32>,
    %get3A_17 = arith.constant 0 : index
    %get3A_18 = arith.constant 0 : index
    %get3A_19 = vector.load %arg2[%get3A_17, %get3A_18] : memref<64x128xf32, #tpu.memory_space<vmem>>, vector<64x128xf32>
    %get3A_20 = arith.constant 0 : index
    %get3A_21 = arith.constant 0 : index
    %get3A_22 = vector.load %arg0[%get3A_20, %get3A_21] : memref<10000x128xf32, #tpu.memory_space<vmem>>, vector<10000x128xf32>
    %dot_general3A_23 = arith.constant dense<0.000000e+00> : vector<64x10000xf32>
    %dot_general3A_24 = tpu.matmul %get3A_19, %get3A_22, %dot_general3A_23 {dimension_numbers = #tpu.dot_dimension_numbers<[1], [1], [0], [0], [0, 0, 1, 0], [], []>, transpose_lhs_hint = false} : vector<64x128xf32>, vector<10000x128xf32>, vector<64x10000xf32> -> vector<64x10000xf32>
    %get3A_25 = arith.constant 0 : index
    %get3A_26 = arith.constant 0 : index
    %get3A_27 = vector.load %arg5[%get3A_25, %get3A_26] : memref<64x1xf32, #tpu.memory_space<vmem>>, vector<64x1xf32>
    %add3A_28 = vector.broadcast %get3A_27 : vector<64x1xf32> to vector<64x10000xf32>
    %add3A_29 = arith.addf %dot_general3A_24, %add3A_28 : vector<64x10000xf32>
    %logistic3A_30 = arith.negf %add3A_29 : vector<64x10000xf32>
    %logistic3A_31 = math.exp %logistic3A_30 : vector<64x10000xf32>
    %logistic3A_32 = arith.constant 1.000000e+00 : f32
    %logistic3A_33 = vector.broadcast %logistic3A_32 : f32 to vector<64x10000xf32>
    %logistic3A_34 = arith.addf %logistic3A_33, %logistic3A_31 : vector<64x10000xf32>
    %logistic3A_35 = arith.divf %logistic3A_33, %logistic3A_34 : vector<64x10000xf32>
    %mul3A_36 = arith.mulf %add3A_29, %logistic3A_35 : vector<64x10000xf32>
    %get3A_37 = arith.constant 0 : index
    %get3A_38 = arith.constant 0 : index
    %get3A_39 = vector.load %arg3[%get3A_37, %get3A_38] : memref<64x128xf32, #tpu.memory_space<vmem>>, vector<64x128xf32>
    %get3A_40 = arith.constant 0 : index
    %get3A_41 = arith.constant 0 : index
    %get3A_42 = vector.load %arg0[%get3A_40, %get3A_41] : memref<10000x128xf32, #tpu.memory_space<vmem>>, vector<10000x128xf32>
    %dot_general3A_43 = arith.constant dense<0.000000e+00> : vector<64x10000xf32>
    %dot_general3A_44 = tpu.matmul %get3A_39, %get3A_42, %dot_general3A_43 {dimension_numbers = #tpu.dot_dimension_numbers<[1], [1], [0], [0], [0, 0, 1, 0], [], []>, transpose_lhs_hint = false} : vector<64x128xf32>, vector<10000x128xf32>, vector<64x10000xf32> -> vector<64x10000xf32>
    %get3A_45 = arith.constant 0 : index
    %get3A_46 = arith.constant 0 : index
    %get3A_47 = vector.load %arg6[%get3A_45, %get3A_46] : memref<64x1xf32, #tpu.memory_space<vmem>>, vector<64x1xf32>
    %add3A_48 = vector.broadcast %get3A_47 : vector<64x1xf32> to vector<64x10000xf32>
    %add3A_49 = arith.addf %dot_general3A_44, %add3A_48 : vector<64x10000xf32>
    %logistic3A_50 = arith.negf %add3A_49 : vector<64x10000xf32>
    %logistic3A_51 = math.exp %logistic3A_50 : vector<64x10000xf32>
    %logistic3A_52 = arith.constant 1.000000e+00 : f32
    %logistic3A_53 = vector.broadcast %logistic3A_52 : f32 to vector<64x10000xf32>
    %logistic3A_54 = arith.addf %logistic3A_53, %logistic3A_51 : vector<64x10000xf32>
    %logistic3A_55 = arith.divf %logistic3A_53, %logistic3A_54 : vector<64x10000xf32>
    %mul3A_56 = arith.mulf %add3A_49, %logistic3A_55 : vector<64x10000xf32>
    %convert_element_type3A = arith.truncf %mul3A_36 : vector<64x10000xf32> to vector<64x10000xbf16>
    %bitcast_convert_type3A = tpu.bitcast %convert_element_type3A : vector<64x10000xbf16> -> vector<64x10000xi16>
    %convert_element_type3A_57 = arith.extui %bitcast_convert_type3A : vector<64x10000xi16> to vector<64x10000xi32>
    %convert_element_type3A_58 = arith.truncf %mul3A_56 : vector<64x10000xf32> to vector<64x10000xbf16>
    %bitcast_convert_type3A_59 = tpu.bitcast %convert_element_type3A_58 : vector<64x10000xbf16> -> vector<64x10000xi16>
    %convert_element_type3A_60 = arith.extui %bitcast_convert_type3A_59 : vector<64x10000xi16> to vector<64x10000xi32>
    %shift_left3A = arith.constant 16 : i32
    %shift_left3A_61 = vector.broadcast %shift_left3A : i32 to vector<64x10000xi32>
    %shift_left3A_62 = arith.shli %convert_element_type3A_60, %shift_left3A_61 : vector<64x10000xi32>
    %or3A = arith.ori %convert_element_type3A_57, %shift_left3A_62 : vector<64x10000xi32>
    %bitcast_convert_type3A_63 = tpu.bitcast %or3A : vector<64x10000xi32> -> vector<64x10000xi32>
    %swap3A_64 = arith.constant 0 : index
    %swap3A_65 = arith.constant 0 : index
    %swap3A_66 = vector.load %arg12[%swap3A_64, %swap3A_65] : memref<64x10000xi32, #tpu.memory_space<vmem>>, vector<64x10000xi32>
    tpu.vector_store %arg12[%swap3A_64, %swap3A_65], %bitcast_convert_type3A_63 {strides = array<i32>} : memref<64x10000xi32, #tpu.memory_space<vmem>>, vector<64x10000xi32>,
    %get3A_67 = arith.constant 0 : index
    %get3A_68 = arith.constant 0 : index
    %get3A_69 = vector.load %arg8[%get3A_67, %get3A_68] : memref<128x64xf32, #tpu.memory_space<vmem>>, vector<128x64xf32>
    %get3A_70 = arith.constant 0 : index
    %get3A_71 = arith.constant 0 : index
    %get3A_72 = vector.load %arg7[%get3A_70, %get3A_71] : memref<64x12xf32, #tpu.memory_space<vmem>>, vector<64x12xf32>
    %dot_general3A_73 = arith.constant dense<0.000000e+00> : vector<128x12xf32>
    %dot_general3A_74 = tpu.matmul %get3A_69, %get3A_72, %dot_general3A_73 {dimension_numbers = #tpu.dot_dimension_numbers<[1], [0], [0], [1], [0, 0, 1, 1], [], []>, transpose_lhs_hint = false} : vector<128x64xf32>, vector<64x12xf32>, vector<128x12xf32> -> vector<128x12xf32>
    %swap3A_75 = arith.constant 0 : index
    %swap3A_76 = arith.constant 0 : index
    %swap3A_77 = vector.load %arg13[%swap3A_75, %swap3A_76] : memref<128x12xf32, #tpu.memory_space<vmem>>, vector<128x12xf32>
    tpu.vector_store %arg13[%swap3A_75, %swap3A_76], %dot_general3A_74 {strides = array<i32>} : memref<128x12xf32, #tpu.memory_space<vmem>>, vector<128x12xf32>,
    %get3A_78 = arith.constant 0 : index
    %get3A_79 = arith.constant 0 : index
    %get3A_80 = vector.load %arg10[%get3A_78, %get3A_79] : memref<128x64xf32, #tpu.memory_space<vmem>>, vector<128x64xf32>
    %get3A_81 = arith.constant 0 : index
    %get3A_82 = arith.constant 0 : index
    %get3A_83 = vector.load %arg9[%get3A_81, %get3A_82] : memref<64x6xf32, #tpu.memory_space<vmem>>, vector<64x6xf32>
    %dot_general3A_84 = arith.constant dense<0.000000e+00> : vector<128x6xf32>
    %dot_general3A_85 = tpu.matmul %get3A_80, %get3A_83, %dot_general3A_84 {dimension_numbers = #tpu.dot_dimension_numbers<[1], [0], [0], [1], [0, 0, 1, 1], [], []>, transpose_lhs_hint = false} : vector<128x64xf32>, vector<64x6xf32>, vector<128x6xf32> -> vector<128x6xf32>
    %swap3A_86 = arith.constant 0 : index
    %swap3A_87 = arith.constant 0 : index
    %swap3A_88 = vector.load %arg14[%swap3A_86, %swap3A_87] : memref<128x6xf32, #tpu.memory_space<vmem>>, vector<128x6xf32>
    tpu.vector_store %arg14[%swap3A_86, %swap3A_87], %dot_general3A_85 {strides = array<i32>} : memref<128x6xf32, #tpu.memory_space<vmem>>, vector<128x6xf32>,
    return
  }
}

module attributes {stable_mosaic.version = 14 : i64} {
  func.func @_edge_factor_kernel(%arg0: i32, %arg1: memref<64x12xf32, #tpu.memory_space<vmem>>, %arg2: memref<64x12xf32, #tpu.memory_space<vmem>>, %arg3: memref<64x6xf32, #tpu.memory_space<vmem>>, %arg4: memref<64x6xf32, #tpu.memory_space<vmem>>, %arg5: memref<12x16000xf32, #tpu.memory_space<vmem>>, %arg6: memref<6x16000xf32, #tpu.memory_space<vmem>>, %arg7: memref<64x16000xi32, #tpu.memory_space<vmem>>, %arg8: memref<64x16000xi32, #tpu.memory_space<vmem>>) attributes {dimension_semantics = [#tpu.dimension_semantics<arbitrary>], iteration_bounds = array<i64: 20>, scalar_prefetch = 0 : i64, scratch_operands = 0 : i64, tpu.core_type = #tpu.core_type<tc>, window_params = [{pipeline_mode = #tpu.pipeline_mode<synchronous>, transform_indices = @transform_0, window_bounds = array<i64: 64, 12>}, {pipeline_mode = #tpu.pipeline_mode<synchronous>, transform_indices = @transform_1, window_bounds = array<i64: 64, 12>}, {pipeline_mode = #tpu.pipeline_mode<synchronous>, transform_indices = @transform_2, window_bounds = array<i64: 64, 6>}, {pipeline_mode = #tpu.pipeline_mode<synchronous>, transform_indices = @transform_3, window_bounds = array<i64: 64, 6>}, {transform_indices = @transform_4, window_bounds = array<i64: 12, 16000>}, {transform_indices = @transform_5, window_bounds = array<i64: 6, 16000>}, {transform_indices = @transform_6, window_bounds = array<i64: 64, 16000>}, {transform_indices = @transform_7, window_bounds = array<i64: 64, 16000>}]} {
    %get3A = arith.constant 0 : index
    %get3A_0 = arith.constant 0 : index
    %get3A_1 = vector.load %arg1[%get3A, %get3A_0] : memref<64x12xf32, #tpu.memory_space<vmem>>, vector<64x12xf32>
    %get3A_2 = arith.constant 0 : index
    %get3A_3 = arith.constant 0 : index
    %get3A_4 = vector.load %arg5[%get3A_2, %get3A_3] : memref<12x16000xf32, #tpu.memory_space<vmem>>, vector<12x16000xf32>
    %dot_general3A = arith.constant dense<0.000000e+00> : vector<64x16000xf32>
    %dot_general3A_5 = tpu.matmul %get3A_1, %get3A_4, %dot_general3A {dimension_numbers = #tpu.dot_dimension_numbers<[1], [0], [0], [1], [0, 0, 1, 1], [], []>, transpose_lhs_hint = false} : vector<64x12xf32>, vector<12x16000xf32>, vector<64x16000xf32> -> vector<64x16000xf32>
    %get3A_6 = arith.constant 0 : index
    %get3A_7 = arith.constant 0 : index
    %get3A_8 = vector.load %arg2[%get3A_6, %get3A_7] : memref<64x12xf32, #tpu.memory_space<vmem>>, vector<64x12xf32>
    %get3A_9 = arith.constant 0 : index
    %get3A_10 = arith.constant 0 : index
    %get3A_11 = vector.load %arg5[%get3A_9, %get3A_10] : memref<12x16000xf32, #tpu.memory_space<vmem>>, vector<12x16000xf32>
    %dot_general3A_12 = arith.constant dense<0.000000e+00> : vector<64x16000xf32>
    %dot_general3A_13 = tpu.matmul %get3A_8, %get3A_11, %dot_general3A_12 {dimension_numbers = #tpu.dot_dimension_numbers<[1], [0], [0], [1], [0, 0, 1, 1], [], []>, transpose_lhs_hint = false} : vector<64x12xf32>, vector<12x16000xf32>, vector<64x16000xf32> -> vector<64x16000xf32>
    %convert_element_type3A = arith.truncf %dot_general3A_5 : vector<64x16000xf32> to vector<64x16000xbf16>
    %bitcast_convert_type3A = tpu.bitcast %convert_element_type3A : vector<64x16000xbf16> -> vector<64x16000xi16>
    %convert_element_type3A_14 = arith.extui %bitcast_convert_type3A : vector<64x16000xi16> to vector<64x16000xi32>
    %convert_element_type3A_15 = arith.truncf %dot_general3A_13 : vector<64x16000xf32> to vector<64x16000xbf16>
    %bitcast_convert_type3A_16 = tpu.bitcast %convert_element_type3A_15 : vector<64x16000xbf16> -> vector<64x16000xi16>
    %convert_element_type3A_17 = arith.extui %bitcast_convert_type3A_16 : vector<64x16000xi16> to vector<64x16000xi32>
    %shift_left3A = arith.constant 16 : i32
    %shift_left3A_18 = vector.broadcast %shift_left3A : i32 to vector<64x16000xi32>
    %shift_left3A_19 = arith.shli %convert_element_type3A_17, %shift_left3A_18 : vector<64x16000xi32>
    %or3A = arith.ori %convert_element_type3A_14, %shift_left3A_19 : vector<64x16000xi32>
    %bitcast_convert_type3A_20 = tpu.bitcast %or3A : vector<64x16000xi32> -> vector<64x16000xi32>
    %swap3A = arith.constant 0 : index
    %swap3A_21 = arith.constant 0 : index
    %swap3A_22 = vector.load %arg7[%swap3A, %swap3A_21] : memref<64x16000xi32, #tpu.memory_space<vmem>>, vector<64x16000xi32>
    tpu.vector_store %arg7[%swap3A, %swap3A_21], %bitcast_convert_type3A_20 {strides = array<i32>} : memref<64x16000xi32, #tpu.memory_space<vmem>>, vector<64x16000xi32>,
    %get3A_23 = arith.constant 0 : index
    %get3A_24 = arith.constant 0 : index
    %get3A_25 = vector.load %arg3[%get3A_23, %get3A_24] : memref<64x6xf32, #tpu.memory_space<vmem>>, vector<64x6xf32>
    %get3A_26 = arith.constant 0 : index
    %get3A_27 = arith.constant 0 : index
    %get3A_28 = vector.load %arg6[%get3A_26, %get3A_27] : memref<6x16000xf32, #tpu.memory_space<vmem>>, vector<6x16000xf32>
    %dot_general3A_29 = arith.constant dense<0.000000e+00> : vector<64x16000xf32>
    %dot_general3A_30 = tpu.matmul %get3A_25, %get3A_28, %dot_general3A_29 {dimension_numbers = #tpu.dot_dimension_numbers<[1], [0], [0], [1], [0, 0, 1, 1], [], []>, transpose_lhs_hint = false} : vector<64x6xf32>, vector<6x16000xf32>, vector<64x16000xf32> -> vector<64x16000xf32>
    %get3A_31 = arith.constant 0 : index
    %get3A_32 = arith.constant 0 : index
    %get3A_33 = vector.load %arg4[%get3A_31, %get3A_32] : memref<64x6xf32, #tpu.memory_space<vmem>>, vector<64x6xf32>
    %get3A_34 = arith.constant 0 : index
    %get3A_35 = arith.constant 0 : index
    %get3A_36 = vector.load %arg6[%get3A_34, %get3A_35] : memref<6x16000xf32, #tpu.memory_space<vmem>>, vector<6x16000xf32>
    %dot_general3A_37 = arith.constant dense<0.000000e+00> : vector<64x16000xf32>
    %dot_general3A_38 = tpu.matmul %get3A_33, %get3A_36, %dot_general3A_37 {dimension_numbers = #tpu.dot_dimension_numbers<[1], [0], [0], [1], [0, 0, 1, 1], [], []>, transpose_lhs_hint = false} : vector<64x6xf32>, vector<6x16000xf32>, vector<64x16000xf32> -> vector<64x16000xf32>
    %convert_element_type3A_39 = arith.truncf %dot_general3A_30 : vector<64x16000xf32> to vector<64x16000xbf16>
    %bitcast_convert_type3A_40 = tpu.bitcast %convert_element_type3A_39 : vector<64x16000xbf16> -> vector<64x16000xi16>
    %convert_element_type3A_41 = arith.extui %bitcast_convert_type3A_40 : vector<64x16000xi16> to vector<64x16000xi32>
    %convert_element_type3A_42 = arith.truncf %dot_general3A_38 : vector<64x16000xf32> to vector<64x16000xbf16>
    %bitcast_convert_type3A_43 = tpu.bitcast %convert_element_type3A_42 : vector<64x16000xbf16> -> vector<64x16000xi16>
    %convert_element_type3A_44 = arith.extui %bitcast_convert_type3A_43 : vector<64x16000xi16> to vector<64x16000xi32>
    %shift_left3A_45 = arith.constant 16 : i32
    %shift_left3A_46 = vector.broadcast %shift_left3A_45 : i32 to vector<64x16000xi32>
    %shift_left3A_47 = arith.shli %convert_element_type3A_44, %shift_left3A_46 : vector<64x16000xi32>
    %or3A_48 = arith.ori %convert_element_type3A_41, %shift_left3A_47 : vector<64x16000xi32>
    %bitcast_convert_type3A_49 = tpu.bitcast %or3A_48 : vector<64x16000xi32> -> vector<64x16000xi32>
    %swap3A_50 = arith.constant 0 : index
    %swap3A_51 = arith.constant 0 : index
    %swap3A_52 = vector.load %arg8[%swap3A_50, %swap3A_51] : memref<64x16000xi32, #tpu.memory_space<vmem>>, vector<64x16000xi32>
    tpu.vector_store %arg8[%swap3A_50, %swap3A_51], %bitcast_convert_type3A_49 {strides = array<i32>} : memref<64x16000xi32, #tpu.memory_space<vmem>>, vector<64x16000xi32>,
    return
  }
  func.func @transform_0(%arg0: i32) -> (i32, i32) {
    %c0_i32 = arith.constant 0 : i32
    %c0_i32_0 = arith.constant 0 : i32
    %c0_i32_1 = arith.constant 0 : i32
    return %c0_i32, %c0_i32_0 : i32, i32
  }
  func.func @transform_1(%arg0: i32) -> (i32, i32) {
    %c0_i32 = arith.constant 0 : i32
    %c0_i32_0 = arith.constant 0 : i32
    %c0_i32_1 = arith.constant 0 : i32
    return %c0_i32, %c0_i32_0 : i32, i32
  }
  func.func @transform_2(%arg0: i32) -> (i32, i32) {
    %c0_i32 = arith.constant 0 : i32
    %c0_i32_0 = arith.constant 0 : i32
    %c0_i32_1 = arith.constant 0 : i32
    return %c0_i32, %c0_i32_0 : i32, i32
  }
  func.func @transform_3(%arg0: i32) -> (i32, i32) {
    %c0_i32 = arith.constant 0 : i32
    %c0_i32_0 = arith.constant 0 : i32
    %c0_i32_1 = arith.constant 0 : i32
    return %c0_i32, %c0_i32_0 : i32, i32
  }
  func.func @transform_4(%arg0: i32) -> (i32, i32) {
    %c0_i32 = arith.constant 0 : i32
    %c0_i32_0 = arith.constant 0 : i32
    return %c0_i32, %arg0 : i32, i32
  }
  func.func @transform_5(%arg0: i32) -> (i32, i32) {
    %c0_i32 = arith.constant 0 : i32
    %c0_i32_0 = arith.constant 0 : i32
    return %c0_i32, %arg0 : i32, i32
  }
  func.func @transform_6(%arg0: i32) -> (i32, i32) {
    %c0_i32 = arith.constant 0 : i32
    %c0_i32_0 = arith.constant 0 : i32
    return %c0_i32, %arg0 : i32, i32
  }
  func.func @transform_7(%arg0: i32) -> (i32, i32) {
    %c0_i32 = arith.constant 0 : i32
    %c0_i32_0 = arith.constant 0 : i32
    return %c0_i32, %arg0 : i32, i32
  }
}

module attributes {stable_mosaic.version = 14 : i64} {
  func.func @_epilogue_kernel(%arg0: memref<10000x128xf32, #tpu.memory_space<vmem>>, %arg1: memref<128x10000xf32, #tpu.memory_space<vmem>>, %arg2: memref<128x10000xf32, #tpu.memory_space<vmem>>, %arg3: memref<10000x1xi32, #tpu.memory_space<vmem>>, %arg4: memref<128x128xf32, #tpu.memory_space<vmem>>, %arg5: memref<1x128xf32, #tpu.memory_space<vmem>>, %arg6: memref<128x128xf32, #tpu.memory_space<vmem>>, %arg7: memref<128x128xf32, #tpu.memory_space<vmem>>, %arg8: memref<1x128xf32, #tpu.memory_space<vmem>>, %arg9: memref<128x128xf32, #tpu.memory_space<vmem>>, %arg10: memref<1x128xf32, #tpu.memory_space<vmem>>, %arg11: memref<128x128xf32, #tpu.memory_space<vmem>>, %arg12: memref<128x128xf32, #tpu.memory_space<vmem>>, %arg13: memref<1x128xf32, #tpu.memory_space<vmem>>, %arg14: memref<128x256xf32, #tpu.memory_space<vmem>>, %arg15: memref<1x128xf32, #tpu.memory_space<vmem>>, %arg16: memref<128x128xf32, #tpu.memory_space<vmem>>, %arg17: memref<1x128xf32, #tpu.memory_space<vmem>>, %arg18: memref<128x128xf32, #tpu.memory_space<vmem>>, %arg19: memref<1x128xf32, #tpu.memory_space<vmem>>, %arg20: memref<128x128xf32, #tpu.memory_space<vmem>>, %arg21: memref<1x128xf32, #tpu.memory_space<vmem>>, %arg22: memref<1x128xf32, #tpu.memory_space<vmem>>, %arg23: memref<1x128xf32, #tpu.memory_space<vmem>>, %arg24: memref<1x128xf32, #tpu.memory_space<vmem>>, %arg25: memref<128x128xf32, #tpu.memory_space<vmem>>, %arg26: memref<1x128xf32, #tpu.memory_space<vmem>>, %arg27: memref<10000x128xf32, #tpu.memory_space<vmem>>) attributes {dimension_semantics = [], scalar_prefetch = 0 : i64, scratch_operands = 0 : i64, tpu.core_type = #tpu.core_type<tc>} {
    %get3A = arith.constant 0 : index
    %get3A_0 = arith.constant 0 : index
    %get3A_1 = vector.load %arg0[%get3A, %get3A_0] : memref<10000x128xf32, #tpu.memory_space<vmem>>, vector<10000x128xf32>
    %get3A_2 = arith.constant 0 : index
    %get3A_3 = arith.constant 0 : index
    %get3A_4 = vector.load %arg1[%get3A_2, %get3A_3] : memref<128x10000xf32, #tpu.memory_space<vmem>>, vector<128x10000xf32>
    %get3A_5 = arith.constant 0 : index
    %get3A_6 = arith.constant 0 : index
    %get3A_7 = vector.load %arg4[%get3A_5, %get3A_6] : memref<128x128xf32, #tpu.memory_space<vmem>>, vector<128x128xf32>
    %dot_general3A = arith.constant dense<0.000000e+00> : vector<10000x128xf32>
    %dot_general3A_8 = tpu.matmul %get3A_4, %get3A_7, %dot_general3A {dimension_numbers = #tpu.dot_dimension_numbers<[0], [1], [1], [0], [0, 1, 1, 0], [], []>, transpose_lhs_hint = false} : vector<128x10000xf32>, vector<128x128xf32>, vector<10000x128xf32> -> vector<10000x128xf32>
    %get3A_9 = arith.constant 0 : index
    %get3A_10 = arith.constant 0 : index
    %get3A_11 = vector.load %arg5[%get3A_9, %get3A_10] : memref<1x128xf32, #tpu.memory_space<vmem>>, vector<1x128xf32>
    %add3A = vector.broadcast %get3A_11 : vector<1x128xf32> to vector<10000x128xf32>
    %add3A_12 = arith.addf %dot_general3A_8, %add3A : vector<10000x128xf32>
    %get3A_13 = arith.constant 0 : index
    %get3A_14 = arith.constant 0 : index
    %get3A_15 = vector.load %arg6[%get3A_13, %get3A_14] : memref<128x128xf32, #tpu.memory_space<vmem>>, vector<128x128xf32>
    %dot_general3A_16 = arith.constant dense<0.000000e+00> : vector<10000x128xf32>
    %dot_general3A_17 = tpu.matmul %get3A_1, %get3A_15, %dot_general3A_16 {dimension_numbers = #tpu.dot_dimension_numbers<[1], [1], [0], [0], [0, 0, 1, 0], [], []>, transpose_lhs_hint = false} : vector<10000x128xf32>, vector<128x128xf32>, vector<10000x128xf32> -> vector<10000x128xf32>
    %add3A_18 = arith.addf %add3A_12, %dot_general3A_17 : vector<10000x128xf32>
    %get3A_19 = arith.constant 0 : index
    %get3A_20 = arith.constant 0 : index
    %get3A_21 = vector.load %arg7[%get3A_19, %get3A_20] : memref<128x128xf32, #tpu.memory_space<vmem>>, vector<128x128xf32>
    %dot_general3A_22 = arith.constant dense<0.000000e+00> : vector<10000x128xf32>
    %dot_general3A_23 = tpu.matmul %add3A_18, %get3A_21, %dot_general3A_22 {dimension_numbers = #tpu.dot_dimension_numbers<[1], [1], [0], [0], [0, 0, 1, 0], [], []>, transpose_lhs_hint = false} : vector<10000x128xf32>, vector<128x128xf32>, vector<10000x128xf32> -> vector<10000x128xf32>
    %get3A_24 = arith.constant 0 : index
    %get3A_25 = arith.constant 0 : index
    %get3A_26 = vector.load %arg8[%get3A_24, %get3A_25] : memref<1x128xf32, #tpu.memory_space<vmem>>, vector<1x128xf32>
    %add3A_27 = vector.broadcast %get3A_26 : vector<1x128xf32> to vector<10000x128xf32>
    %add3A_28 = arith.addf %dot_general3A_23, %add3A_27 : vector<10000x128xf32>
    %logistic3A = arith.negf %add3A_28 : vector<10000x128xf32>
    %logistic3A_29 = math.exp %logistic3A : vector<10000x128xf32>
    %logistic3A_30 = arith.constant 1.000000e+00 : f32
    %logistic3A_31 = vector.broadcast %logistic3A_30 : f32 to vector<10000x128xf32>
    %logistic3A_32 = arith.addf %logistic3A_31, %logistic3A_29 : vector<10000x128xf32>
    %logistic3A_33 = arith.divf %logistic3A_31, %logistic3A_32 : vector<10000x128xf32>
    %mul3A = arith.mulf %add3A_28, %logistic3A_33 : vector<10000x128xf32>
    %get3A_34 = arith.constant 0 : index
    %get3A_35 = arith.constant 0 : index
    %get3A_36 = vector.load %arg2[%get3A_34, %get3A_35] : memref<128x10000xf32, #tpu.memory_space<vmem>>, vector<128x10000xf32>
    %get3A_37 = arith.constant 0 : index
    %get3A_38 = arith.constant 0 : index
    %get3A_39 = vector.load %arg9[%get3A_37, %get3A_38] : memref<128x128xf32, #tpu.memory_space<vmem>>, vector<128x128xf32>
    %dot_general3A_40 = arith.constant dense<0.000000e+00> : vector<10000x128xf32>
    %dot_general3A_41 = tpu.matmul %get3A_36, %get3A_39, %dot_general3A_40 {dimension_numbers = #tpu.dot_dimension_numbers<[0], [1], [1], [0], [0, 1, 1, 0], [], []>, transpose_lhs_hint = false} : vector<128x10000xf32>, vector<128x128xf32>, vector<10000x128xf32> -> vector<10000x128xf32>
    %get3A_42 = arith.constant 0 : index
    %get3A_43 = arith.constant 0 : index
    %get3A_44 = vector.load %arg10[%get3A_42, %get3A_43] : memref<1x128xf32, #tpu.memory_space<vmem>>, vector<1x128xf32>
    %add3A_45 = vector.broadcast %get3A_44 : vector<1x128xf32> to vector<10000x128xf32>
    %add3A_46 = arith.addf %dot_general3A_41, %add3A_45 : vector<10000x128xf32>
    %get3A_47 = arith.constant 0 : index
    %get3A_48 = arith.constant 0 : index
    %get3A_49 = vector.load %arg11[%get3A_47, %get3A_48] : memref<128x128xf32, #tpu.memory_space<vmem>>, vector<128x128xf32>
    %dot_general3A_50 = arith.constant dense<0.000000e+00> : vector<10000x128xf32>
    %dot_general3A_51 = tpu.matmul %get3A_1, %get3A_49, %dot_general3A_50 {dimension_numbers = #tpu.dot_dimension_numbers<[1], [1], [0], [0], [0, 0, 1, 0], [], []>, transpose_lhs_hint = false} : vector<10000x128xf32>, vector<128x128xf32>, vector<10000x128xf32> -> vector<10000x128xf32>
    %add3A_52 = arith.addf %add3A_46, %dot_general3A_51 : vector<10000x128xf32>
    %get3A_53 = arith.constant 0 : index
    %get3A_54 = arith.constant 0 : index
    %get3A_55 = vector.load %arg12[%get3A_53, %get3A_54] : memref<128x128xf32, #tpu.memory_space<vmem>>, vector<128x128xf32>
    %dot_general3A_56 = arith.constant dense<0.000000e+00> : vector<10000x128xf32>
    %dot_general3A_57 = tpu.matmul %add3A_52, %get3A_55, %dot_general3A_56 {dimension_numbers = #tpu.dot_dimension_numbers<[1], [1], [0], [0], [0, 0, 1, 0], [], []>, transpose_lhs_hint = false} : vector<10000x128xf32>, vector<128x128xf32>, vector<10000x128xf32> -> vector<10000x128xf32>
    %get3A_58 = arith.constant 0 : index
    %get3A_59 = arith.constant 0 : index
    %get3A_60 = vector.load %arg13[%get3A_58, %get3A_59] : memref<1x128xf32, #tpu.memory_space<vmem>>, vector<1x128xf32>
    %add3A_61 = vector.broadcast %get3A_60 : vector<1x128xf32> to vector<10000x128xf32>
    %add3A_62 = arith.addf %dot_general3A_57, %add3A_61 : vector<10000x128xf32>
    %logistic3A_63 = arith.negf %add3A_62 : vector<10000x128xf32>
    %logistic3A_64 = math.exp %logistic3A_63 : vector<10000x128xf32>
    %logistic3A_65 = arith.constant 1.000000e+00 : f32
    %logistic3A_66 = vector.broadcast %logistic3A_65 : f32 to vector<10000x128xf32>
    %logistic3A_67 = arith.addf %logistic3A_66, %logistic3A_64 : vector<10000x128xf32>
    %logistic3A_68 = arith.divf %logistic3A_66, %logistic3A_67 : vector<10000x128xf32>
    %mul3A_69 = arith.mulf %add3A_62, %logistic3A_68 : vector<10000x128xf32>
    %get3A_70 = arith.constant 0 : index
    %get3A_71 = arith.constant 0 : index
    %get3A_72 = vector.load %arg14[%get3A_70, %get3A_71] : memref<128x256xf32, #tpu.memory_space<vmem>>, vector<128x256xf32>
    %slice3A = vector.extract_strided_slice %get3A_72 {offsets = [0, 0], sizes = [128, 128], strides = [1, 1]} : vector<128x256xf32> to vector<128x128xf32>
    %dot_general3A_73 = arith.constant dense<0.000000e+00> : vector<10000x128xf32>
    %dot_general3A_74 = tpu.matmul %mul3A, %slice3A, %dot_general3A_73 {dimension_numbers = #tpu.dot_dimension_numbers<[1], [1], [0], [0], [0, 0, 1, 0], [], []>, transpose_lhs_hint = false} : vector<10000x128xf32>, vector<128x128xf32>, vector<10000x128xf32> -> vector<10000x128xf32>
    %slice3A_75 = vector.extract_strided_slice %get3A_72 {offsets = [0, 128], sizes = [128, 128], strides = [1, 1]} : vector<128x256xf32> to vector<128x128xf32>
    %dot_general3A_76 = arith.constant dense<0.000000e+00> : vector<10000x128xf32>
    %dot_general3A_77 = tpu.matmul %mul3A_69, %slice3A_75, %dot_general3A_76 {dimension_numbers = #tpu.dot_dimension_numbers<[1], [1], [0], [0], [0, 0, 1, 0], [], []>, transpose_lhs_hint = false} : vector<10000x128xf32>, vector<128x128xf32>, vector<10000x128xf32> -> vector<10000x128xf32>
    %add3A_78 = arith.addf %dot_general3A_74, %dot_general3A_77 : vector<10000x128xf32>
    %get3A_79 = arith.constant 0 : index
    %get3A_80 = arith.constant 0 : index
    %get3A_81 = vector.load %arg15[%get3A_79, %get3A_80] : memref<1x128xf32, #tpu.memory_space<vmem>>, vector<1x128xf32>
    %add3A_82 = vector.broadcast %get3A_81 : vector<1x128xf32> to vector<10000x128xf32>
    %add3A_83 = arith.addf %add3A_78, %add3A_82 : vector<10000x128xf32>
    %add3A_84 = arith.addf %add3A_83, %get3A_1 : vector<10000x128xf32>
    %get3A_85 = arith.constant 0 : index
    %get3A_86 = arith.constant 0 : index
    %get3A_87 = vector.load %arg16[%get3A_85, %get3A_86] : memref<128x128xf32, #tpu.memory_space<vmem>>, vector<128x128xf32>
    %dot_general3A_88 = arith.constant dense<0.000000e+00> : vector<10000x128xf32>
    %dot_general3A_89 = tpu.matmul %add3A_84, %get3A_87, %dot_general3A_88 {dimension_numbers = #tpu.dot_dimension_numbers<[1], [1], [0], [0], [0, 0, 1, 0], [], []>, transpose_lhs_hint = false} : vector<10000x128xf32>, vector<128x128xf32>, vector<10000x128xf32> -> vector<10000x128xf32>
    %get3A_90 = arith.constant 0 : index
    %get3A_91 = arith.constant 0 : index
    %get3A_92 = vector.load %arg17[%get3A_90, %get3A_91] : memref<1x128xf32, #tpu.memory_space<vmem>>, vector<1x128xf32>
    %add3A_93 = vector.broadcast %get3A_92 : vector<1x128xf32> to vector<10000x128xf32>
    %add3A_94 = arith.addf %dot_general3A_89, %add3A_93 : vector<10000x128xf32>
    %logistic3A_95 = arith.negf %add3A_94 : vector<10000x128xf32>
    %logistic3A_96 = math.exp %logistic3A_95 : vector<10000x128xf32>
    %logistic3A_97 = arith.constant 1.000000e+00 : f32
    %logistic3A_98 = vector.broadcast %logistic3A_97 : f32 to vector<10000x128xf32>
    %logistic3A_99 = arith.addf %logistic3A_98, %logistic3A_96 : vector<10000x128xf32>
    %logistic3A_100 = arith.divf %logistic3A_98, %logistic3A_99 : vector<10000x128xf32>
    %mul3A_101 = arith.mulf %add3A_94, %logistic3A_100 : vector<10000x128xf32>
    %add3A_102 = arith.addf %mul3A_101, %add3A_84 : vector<10000x128xf32>
    %get3A_103 = arith.constant 0 : index
    %get3A_104 = arith.constant 0 : index
    %get3A_105 = vector.load %arg18[%get3A_103, %get3A_104] : memref<128x128xf32, #tpu.memory_space<vmem>>, vector<128x128xf32>
    %dot_general3A_106 = arith.constant dense<0.000000e+00> : vector<10000x128xf32>
    %dot_general3A_107 = tpu.matmul %add3A_102, %get3A_105, %dot_general3A_106 {dimension_numbers = #tpu.dot_dimension_numbers<[1], [1], [0], [0], [0, 0, 1, 0], [], []>, transpose_lhs_hint = false} : vector<10000x128xf32>, vector<128x128xf32>, vector<10000x128xf32> -> vector<10000x128xf32>
    %get3A_108 = arith.constant 0 : index
    %get3A_109 = arith.constant 0 : index
    %get3A_110 = vector.load %arg19[%get3A_108, %get3A_109] : memref<1x128xf32, #tpu.memory_space<vmem>>, vector<1x128xf32>
    %add3A_111 = vector.broadcast %get3A_110 : vector<1x128xf32> to vector<10000x128xf32>
    %add3A_112 = arith.addf %dot_general3A_107, %add3A_111 : vector<10000x128xf32>
    %logistic3A_113 = arith.negf %add3A_112 : vector<10000x128xf32>
    %logistic3A_114 = math.exp %logistic3A_113 : vector<10000x128xf32>
    %logistic3A_115 = arith.constant 1.000000e+00 : f32
    %logistic3A_116 = vector.broadcast %logistic3A_115 : f32 to vector<10000x128xf32>
    %logistic3A_117 = arith.addf %logistic3A_116, %logistic3A_114 : vector<10000x128xf32>
    %logistic3A_118 = arith.divf %logistic3A_116, %logistic3A_117 : vector<10000x128xf32>
    %mul3A_119 = arith.mulf %add3A_112, %logistic3A_118 : vector<10000x128xf32>
    %add3A_120 = arith.addf %mul3A_119, %add3A_102 : vector<10000x128xf32>
    %get3A_121 = arith.constant 0 : index
    %get3A_122 = arith.constant 0 : index
    %get3A_123 = vector.load %arg20[%get3A_121, %get3A_122] : memref<128x128xf32, #tpu.memory_space<vmem>>, vector<128x128xf32>
    %dot_general3A_124 = arith.constant dense<0.000000e+00> : vector<10000x128xf32>
    %dot_general3A_125 = tpu.matmul %add3A_120, %get3A_123, %dot_general3A_124 {dimension_numbers = #tpu.dot_dimension_numbers<[1], [1], [0], [0], [0, 0, 1, 0], [], []>, transpose_lhs_hint = false} : vector<10000x128xf32>, vector<128x128xf32>, vector<10000x128xf32> -> vector<10000x128xf32>
    %get3A_126 = arith.constant 0 : index
    %get3A_127 = arith.constant 0 : index
    %get3A_128 = vector.load %arg21[%get3A_126, %get3A_127] : memref<1x128xf32, #tpu.memory_space<vmem>>, vector<1x128xf32>
    %add3A_129 = vector.broadcast %get3A_128 : vector<1x128xf32> to vector<10000x128xf32>
    %add3A_130 = arith.addf %dot_general3A_125, %add3A_129 : vector<10000x128xf32>
    %logistic3A_131 = arith.negf %add3A_130 : vector<10000x128xf32>
    %logistic3A_132 = math.exp %logistic3A_131 : vector<10000x128xf32>
    %logistic3A_133 = arith.constant 1.000000e+00 : f32
    %logistic3A_134 = vector.broadcast %logistic3A_133 : f32 to vector<10000x128xf32>
    %logistic3A_135 = arith.addf %logistic3A_134, %logistic3A_132 : vector<10000x128xf32>
    %logistic3A_136 = arith.divf %logistic3A_134, %logistic3A_135 : vector<10000x128xf32>
    %mul3A_137 = arith.mulf %add3A_130, %logistic3A_136 : vector<10000x128xf32>
    %add3A_138 = arith.addf %mul3A_137, %add3A_120 : vector<10000x128xf32>
    %get3A_139 = arith.constant 0 : index
    %get3A_140 = arith.constant 0 : index
    %get3A_141 = vector.load %arg3[%get3A_139, %get3A_140] : memref<10000x1xi32, #tpu.memory_space<vmem>>, vector<10000x1xi32>
    %iota3A = tpu.iota {dimensions = array<i32: 1>} : vector<10000x64xi32>
    %eq3A = vector.broadcast %get3A_141 : vector<10000x1xi32> to vector<10000x64xi32>
    %eq3A_142 = arith.cmpi eq, %eq3A, %iota3A : vector<10000x64xi32>
    %convert_element_type3A = arith.extui %eq3A_142 : vector<10000x64xi1> to vector<10000x64xi32>
    %convert_element_type3A_143 = arith.sitofp %convert_element_type3A : vector<10000x64xi32> to vector<10000x64xf32>
    %broadcast_in_dim3A = arith.constant 1.000000e+00 : f32
    %broadcast_in_dim3A_144 = vector.broadcast %broadcast_in_dim3A : f32 to vector<1x10000xf32>
    %dot_general3A_145 = arith.constant dense<0.000000e+00> : vector<1x64xf32>
    %dot_general3A_146 = tpu.matmul %broadcast_in_dim3A_144, %convert_element_type3A_143, %dot_general3A_145 {dimension_numbers = #tpu.dot_dimension_numbers<[1], [0], [0], [1], [0, 0, 1, 1], [], []>, transpose_lhs_hint = false} : vector<1x10000xf32>, vector<10000x64xf32>, vector<1x64xf32> -> vector<1x64xf32>
    %max3A = arith.constant 1.000000e+00 : f32
    %max3A_147 = vector.broadcast %max3A : f32 to vector<1x64xf32>
    %max3A_148 = arith.maximumf %dot_general3A_146, %max3A_147 : vector<1x64xf32>
    %dot_general3A_149 = arith.constant dense<0.000000e+00> : vector<64x128xf32>
    %dot_general3A_150 = tpu.matmul %convert_element_type3A_143, %add3A_138, %dot_general3A_149 {dimension_numbers = #tpu.dot_dimension_numbers<[0], [0], [1], [1], [0, 1, 1, 1], [], []>, transpose_lhs_hint = false} : vector<10000x64xf32>, vector<10000x128xf32>, vector<64x128xf32> -> vector<64x128xf32>
    %reshape3A = vector.shape_cast %max3A_148 : vector<1x64xf32> to vector<64x1xf32>
    %div3A = vector.broadcast %reshape3A : vector<64x1xf32> to vector<64x128xf32>
    %div3A_151 = arith.divf %dot_general3A_150, %div3A : vector<64x128xf32>
    %get3A_152 = arith.constant 0 : index
    %get3A_153 = arith.constant 0 : index
    %get3A_154 = vector.load %arg24[%get3A_152, %get3A_153] : memref<1x128xf32, #tpu.memory_space<vmem>>, vector<1x128xf32>
    %dot_general3A_155 = arith.constant dense<0.000000e+00> : vector<10000x128xf32>
    %dot_general3A_156 = tpu.matmul %convert_element_type3A_143, %div3A_151, %dot_general3A_155 {dimension_numbers = #tpu.dot_dimension_numbers<[1], [0], [0], [1], [0, 0, 1, 1], [], []>, transpose_lhs_hint = false} : vector<10000x64xf32>, vector<64x128xf32>, vector<10000x128xf32> -> vector<10000x128xf32>
    %mul3A_157 = vector.broadcast %get3A_154 : vector<1x128xf32> to vector<10000x128xf32>
    %mul3A_158 = arith.mulf %mul3A_157, %dot_general3A_156 : vector<10000x128xf32>
    %sub3A = arith.subf %add3A_138, %mul3A_158 : vector<10000x128xf32>
    %mul3A_159 = arith.mulf %sub3A, %sub3A : vector<10000x128xf32>
    %dot_general3A_160 = arith.constant dense<0.000000e+00> : vector<64x128xf32>
    %dot_general3A_161 = tpu.matmul %convert_element_type3A_143, %mul3A_159, %dot_general3A_160 {dimension_numbers = #tpu.dot_dimension_numbers<[0], [0], [1], [1], [0, 1, 1, 1], [], []>, transpose_lhs_hint = false} : vector<10000x64xf32>, vector<10000x128xf32>, vector<64x128xf32> -> vector<64x128xf32>
    %reshape3A_162 = vector.shape_cast %max3A_148 : vector<1x64xf32> to vector<64x1xf32>
    %div3A_163 = vector.broadcast %reshape3A_162 : vector<64x1xf32> to vector<64x128xf32>
    %div3A_164 = arith.divf %dot_general3A_161, %div3A_163 : vector<64x128xf32>
    %add3A_165 = arith.constant 9.99999974E-6 : f32
    %add3A_166 = vector.broadcast %add3A_165 : f32 to vector<64x128xf32>
    %add3A_167 = arith.addf %div3A_164, %add3A_166 : vector<64x128xf32>
    %sqrt3A = math.sqrt %add3A_167 : vector<64x128xf32>
    %get3A_168 = arith.constant 0 : index
    %get3A_169 = arith.constant 0 : index
    %get3A_170 = vector.load %arg22[%get3A_168, %get3A_169] : memref<1x128xf32, #tpu.memory_space<vmem>>, vector<1x128xf32>
    %mul3A_171 = vector.broadcast %get3A_170 : vector<1x128xf32> to vector<10000x128xf32>
    %mul3A_172 = arith.mulf %mul3A_171, %sub3A : vector<10000x128xf32>
    %dot_general3A_173 = arith.constant dense<0.000000e+00> : vector<10000x128xf32>
    %dot_general3A_174 = tpu.matmul %convert_element_type3A_143, %sqrt3A, %dot_general3A_173 {dimension_numbers = #tpu.dot_dimension_numbers<[1], [0], [0], [1], [0, 0, 1, 1], [], []>, transpose_lhs_hint = false} : vector<10000x64xf32>, vector<64x128xf32>, vector<10000x128xf32> -> vector<10000x128xf32>
    %div3A_175 = arith.divf %mul3A_172, %dot_general3A_174 : vector<10000x128xf32>
    %get3A_176 = arith.constant 0 : index
    %get3A_177 = arith.constant 0 : index
    %get3A_178 = vector.load %arg23[%get3A_176, %get3A_177] : memref<1x128xf32, #tpu.memory_space<vmem>>, vector<1x128xf32>
    %add3A_179 = vector.broadcast %get3A_178 : vector<1x128xf32> to vector<10000x128xf32>
    %add3A_180 = arith.addf %div3A_175, %add3A_179 : vector<10000x128xf32>
    %get3A_181 = arith.constant 0 : index
    %get3A_182 = arith.constant 0 : index
    %get3A_183 = vector.load %arg25[%get3A_181, %get3A_182] : memref<128x128xf32, #tpu.memory_space<vmem>>, vector<128x128xf32>
    %dot_general3A_184 = arith.constant dense<0.000000e+00> : vector<10000x128xf32>
    %dot_general3A_185 = tpu.matmul %add3A_180, %get3A_183, %dot_general3A_184 {dimension_numbers = #tpu.dot_dimension_numbers<[1], [1], [0], [0], [0, 0, 1, 0], [], []>, transpose_lhs_hint = false} : vector<10000x128xf32>, vector<128x128xf32>, vector<10000x128xf32> -> vector<10000x128xf32>
    %get3A_186 = arith.constant 0 : index
    %get3A_187 = arith.constant 0 : index
    %get3A_188 = vector.load %arg26[%get3A_186, %get3A_187] : memref<1x128xf32, #tpu.memory_space<vmem>>, vector<1x128xf32>
    %add3A_189 = vector.broadcast %get3A_188 : vector<1x128xf32> to vector<10000x128xf32>
    %add3A_190 = arith.addf %dot_general3A_185, %add3A_189 : vector<10000x128xf32>
    %swap3A = arith.constant 0 : index
    %swap3A_191 = arith.constant 0 : index
    %swap3A_192 = vector.load %arg27[%swap3A, %swap3A_191] : memref<10000x128xf32, #tpu.memory_space<vmem>>, vector<10000x128xf32>
    tpu.vector_store %arg27[%swap3A, %swap3A_191], %add3A_190 {strides = array<i32>} : memref<10000x128xf32, #tpu.memory_space<vmem>>, vector<10000x128xf32>,
    return
  }
}

</mosaic_0001>

<sc_bundles>
// kernel: kernel.6.cloned.1.call-start
scs
__scs_entry_jumppad:
0x0: {  	(pc) =	sbr.rel $0x88, $3  }
0x1: {  	(tag) =	ssettag $0x0;
	lr =	simm.s32 $0x1  }
0x2: {  	[smem:$0x3F7F] =	sst lr;
	_ =	strace $0xD0000000  }
0x3: {  	_ = 	snop  }
0x4: {  	_ = 	snop  }
0x5: {  	_ = 	snop  }
0x6: {  	_ = 	snop  }
0x7: {  	_ = 	snop  }
__scs_overlays_trampoline_lowered:
0x8: {  	[smem:$0x3F8E] =	sst s0  }
0x9: {  	[smem:$0x3F8F] =	sst s1  }
0xa: {  	[smem:$0x3F90] =	sst s2  }
0xb: {  	[smem:$0x3F91] =	sst s3  }
0xc: {  	[smem:$0x3F92] =	sst s4  }
0xd: {  	[smem:$0x3F93] =	sst s5  }
0xe: {  	[smem:$0x3F94] =	sst s6  }
0xf: {  	[smem:$0x3F95] =	sst s7  }
0x10: {  	[smem:$0x3F96] =	sst s8  }
0x11: {  	[smem:$0x3F97] =	sst s9;
	s0 =	simm.s32 @!p0 $0x0  }
0x12: {  	s1 =	sld [smem:$0x3F7D];
	s0 =	simm.s32 @p0 $0x1  }
0x13: {  	[smem:$0x3F98] =	sst s0;
	s0 =	simm.s32 @!p1 $0x0  }
0x14: {  	s2 =	sld [smem:$0x3F7C];
	s0 =	simm.s32 @p1 $0x1  }
0x15: {  	[smem:$0x3F99] =	sst s0;
	s0 =	simm.s32 @!p2 $0x0  }
0x16: {  	s3 =	sld [smem:$0x3FDB];
	s0 =	simm.s32 @p2 $0x1  }
0x17: {  	s4 =	simm.s32 $0x1BF5;
	[smem:$0x3F9B] =	sst s0  }
0x18: {  	s0 =	sld [smem:$0x3F7E];
	_ =	swait.ge [sflag:s4], $0x0  }
0x19: {  	s7 =	sld [smem:$0x3F7F]  }
0x1a: {  	s8 =	sadd.s32 $0xFFFFE003, lr  }
0x1b: {  	s9 =	sadd.s32 $0xFFFFFEF7, lr;
	s5 =	simm.s32 $0xFFFFFFFF;
	p2 =	slt.u32 s8, $0xFFFFF086  }
0x1c: {  	p1 =	slt.u32 s9, $0xF7A;
	s5 =	simm.s32 @!p2 $0x0  }
0x1d: {  	s5 =	simm.s32 @p1 $0x1;
	p0 =	seq.s32 s7, s2  }
0x1e: {  	s7 =	smul.u32 @!p0 $0xF7A, s2;
	p2 =	seq.s32 @!p0 s5, $0x0  }
0x1f: {  	s9 =	smul.u32 $0xF7A, s1;
	s8 =	simm.s32 @!p0 $0x1BF5;
	p2 =	por !p2, p0  }
0x20: {  	[sflag:s8] =	ssyncset.s32 @!p0 $0xFFFFF086;
	s6 =	sadd.s32 @!p0 s3, s7;
	s7 =	simm.s32 @!p0 $0x108  }
0x21: {  	s3 =	sadd.s32 s3, s9;
	s6 =	sadd.s32 @!p0 $0x88, s6;
	s7 =	simm.s32 @p2 $0x1082  }
0x22: {  	[simem:s7], [sflag:s8] =	dma.local @!p0 [hbm:s6], $0xF7A  }
0x23: {  	s9 =	sor.u32 $0xD0000000, s2;
	s6 =	simm.s32 $0x108;
	_ =	swait.ge @!p0 [sflag:s8], $0x0  }
0x24: {  	s3 =	sadd.s32 $0x88, s3;
	s6 =	simm.s32 @!p1 $0x1082;
	[sflag:s4] =	ssyncset.s32 $0xFFFFF086  }
0x25: {  	[simem:s6], [sflag:s4] =	dma.local [hbm:s3], $0xF7A  }
0x26: {  	[smem:$0x3F7F] =	sst s1;
	(tag) =	ssettag s2;
	_ =	strace s9  }
0x27: {  	s1 =	sld [smem:$0x3F8F]  }
0x28: {  	s2 =	sld [smem:$0x3F90]  }
0x29: {  	s4 =	sld [smem:$0x3F92]  }
0x2a: {  	p0 =	seq.s32 s5, $0x0;
	s5 =	sld [smem:$0x3F93]  }
0x2b: {  	s6 =	sld [smem:$0x3F94]  }
0x2c: {  	s7 =	sld [smem:$0x3F95]  }
0x2d: {  	s3 =	simm.s32 $0x108;
	s8 =	sld [smem:$0x3F96]  }
0x2e: {  	s3 =	simm.s32 @!p0 $0x1082;
	s9 =	sld [smem:$0x3F97]  }
0x2f: {  	lr =	sadd.s32 s0, s3;
	s0 =	sld [smem:$0x3F8E]  }
0x30: {  	s3 =	sld [smem:$0x3F91]  }
0x31: {  	[smem:$0x3F9A] =	sst s10  }
0x32: {  	s10 =	sld [smem:$0x3F98];
	_ =	sdelay $0x3  }
0x33: {  	p0 =	seq.s32 s10, $0x1;
	s10 =	sld [smem:$0x3F9A];
	_ =	sdelay $0x3  }
0x34: {  	[smem:$0x3F9A] =	sst s10  }
0x35: {  	s10 =	sld [smem:$0x3F99];
	_ =	sdelay $0x3  }
0x36: {  	p1 =	seq.s32 s10, $0x1;
	s10 =	sld [smem:$0x3F9A];
	_ =	sdelay $0x3  }
0x37: {  	[smem:$0x3F9A] =	sst s10  }
0x38: {  	s10 =	sld [smem:$0x3F9B]  }
0x39: {  	_ = 	snop;
	(pc) =	sbr.ind lr, $3  }
0x3a: {  	_ = 	snop  }
0x3b: {  	_ = 	snop  }
0x3c: {  	p2 =	seq.s32 s10, $0x1;
	s10 =	sld [smem:$0x3F9A]  }
0x3d: {  	_ =	shalt  }
0x3e: {  	_ =	shalt  }
0x3f: {  	_ =	shalt  }
0x40: {  	_ =	shalt  }
0x41: {  	_ =	shalt  }
0x42: {  	_ =	shalt  }
0x43: {  	_ =	shalt  }
0x44: {  	_ =	shalt  }
0x45: {  	_ =	shalt  }
0x46: {  	_ =	shalt  }
0x47: {  	_ =	shalt  }
0x48: {  	_ =	shalt  }
0x49: {  	_ =	shalt  }
0x4a: {  	_ =	shalt  }
0x4b: {  	_ =	shalt  }
0x4c: {  	_ =	shalt  }
0x4d: {  	_ =	shalt  }
0x4e: {  	_ =	shalt  }
0x4f: {  	_ =	shalt  }
0x50: {  	_ =	shalt  }
0x51: {  	_ =	shalt  }
0x52: {  	_ =	shalt  }
0x53: {  	_ =	shalt  }
0x54: {  	_ =	shalt  }
0x55: {  	_ =	shalt  }
0x56: {  	_ =	shalt  }
0x57: {  	_ =	shalt  }
0x58: {  	_ =	shalt  }
0x59: {  	_ =	shalt  }
0x5a: {  	_ =	shalt  }
0x5b: {  	_ =	shalt  }
0x5c: {  	_ =	shalt  }
0x5d: {  	_ =	shalt  }
0x5e: {  	_ =	shalt  }
0x5f: {  	_ =	shalt  }
0x60: {  	_ =	shalt  }
0x61: {  	_ =	shalt  }
0x62: {  	_ =	shalt  }
0x63: {  	_ =	shalt  }
0x64: {  	_ =	shalt  }
0x65: {  	_ =	shalt  }
0x66: {  	_ =	shalt  }
0x67: {  	_ =	shalt  }
0x68: {  	_ =	shalt  }
0x69: {  	_ =	shalt  }
0x6a: {  	_ =	shalt  }
0x6b: {  	_ =	shalt  }
0x6c: {  	_ =	shalt  }
0x6d: {  	_ =	shalt  }
0x6e: {  	_ =	shalt  }
0x6f: {  	_ =	shalt  }
0x70: {  	_ =	shalt  }
0x71: {  	_ =	shalt  }
0x72: {  	_ =	shalt  }
0x73: {  	_ =	shalt  }
0x74: {  	_ =	shalt  }
0x75: {  	_ =	shalt  }
0x76: {  	_ =	shalt  }
0x77: {  	_ =	shalt  }
0x78: {  	_ =	shalt  }
0x79: {  	_ =	shalt  }
0x7a: {  	_ =	shalt  }
0x7b: {  	_ =	shalt  }
0x7c: {  	_ =	shalt  }
0x7d: {  	_ =	shalt  }
0x7e: {  	_ =	shalt  }
0x7f: {  	_ =	shalt  }
0x80: {  	_ =	shalt  }
0x81: {  	_ =	shalt  }
0x82: {  	_ =	shalt  }
0x83: {  	_ =	shalt  }
0x84: {  	_ =	shalt  }
0x85: {  	_ =	shalt  }
0x86: {  	_ =	shalt  }
0x87: {  	_ =	shalt  }
.Lfunc_end0:
.L_simem_size_0:
called_computation_lowered:
.L_overlay_start_0:
0x88: {  	s2 =	sld [smem:$0x3FD9]  }
0x89: {  	s3 =	sld [smem:$0x3FFE];
	_ =	sdelay $0x1  }
0x8a: {  	s1 =	srdreg.scid  }
0x8b: {  	s0 =	sand.u32 $0x1, s1  }
0x8c: {  	s17 =	sshll.u32 s0, $0xA;
	s2 =	sadd.s32 s3, s2  }
0x8d: {  	s2 =	sadd.s32 s2, s17  }
0x8e: {  	[smem:$0x3FA6] =	sst s2  }
0x8f: {  	_ = 	snop  }
0x90: {  	s2 =	sld [smem:$0x3FC6];
	(tm) =	ssettm $0x1  }
0x91: {  	s18 =	sld [smem:$0x3FFB];
	_ =	sdelay $0x3  }
0x92: {  	_ =	strace s18  }
0x93: {  	s3 =	sld [smem:$0x3FFC];
	_ =	sdelay $0x3  }
0x94: {  	_ =	strace s3  }
0x95: {  	s3 =	sld [smem:$0x3FFD];
	_ =	sdelay $0x3  }
0x96: {  	_ =	strace s3  }
0x97: {  	_ =	strace $0x8FFFFFFF  }
0x98: {  	s19 =	sld [smem:$0x3FDB];
	_ =	sdelay $0x1  }
0x99: {  	s4 =	simm.s32 $_scs_section_size  }
0x9a: {  	s5 =	simm.s32 $_size__tile_overlayer_lowered;
	s6 =	simm.s32 $_tile_overlayer_lowered  }
0x9b: {  	s22 =	simm.s32 $0x1BFF;
	s21 =	sshll.u32 s6, $0x1;
	s3 =	sadd.s32 s4, s19  }
0x9c: {  	s7 =	simm.s32 $0x0;
	s20 =	sshll.u32 s5, $0x1;
	s5 =	sadd.s32 s21, s3  }
0x9d: {  	[timem:s7], [sflag:s22] =	dma.local [hbm:s5], s20  }
0x9e: {  	_ =	swait.ge [sflag:s22], s20  }
0x9f: {  	s4 =	ssub.s32 $0x0, s20;
	[sflag:s22] =	ssyncset.done $0x0  }
0xa0: {  	[sflag:s22] =	ssyncadd.s32 s4;
	_ =	sdelay $0x1  }
0xa1: {  	s23 =	simm.s32 $0x1B8B  }
0xa2: {  	_ =	swait.ge [sflag:s23], $0x1  }
0xa3: {  	[sflag:s23] =	ssyncset.done $0x0  }
0xa4: {  	s25 =	simm.s32 $0x1B8E;
	s24 =	sld [smem:$0x3FFE];
	[sflag:s23] =	ssyncadd.s32 $0xFFFFFFFF  }
0xa5: {  	s26 =	simm.s32 $execute0_lowered;
	[smem:$0x3FD2] =	sst s25  }
0xa6: {  	s5 =	sshll.u32 s26, $0x1;
	_ =	strace $0x80000046;
	[dreg:$0x1] =	wrdreg $0xFFFFFFFF  }
0xa7: {  	s28 =	simm.s32 $_size_execute0_lowered;
	s3 =	sadd.s32 s3, s5;
	[dreg:$0x0] =	wrdreg $0x0  }
0xa8: {  	s5 =	sshll.u32 s28, $0x1;
	[dreg:$0x2] =	wrdreg s3  }
0xa9: {  	[dreg:$0x3] =	wrdreg s5  }
0xaa: {  	[dreg:$0x4] =	wrdreg $0xC0  }
0xab: {  	_ =	task [dreg:s7], $0x5FFFF  }
0xac: {  	[dreg:$0x1] =	wrdreg $0xFFFFFFFF  }
0xad: {  	[dreg:$0x0] =	wrdreg $0x60  }
0xae: {  	[dreg:$0x2] =	wrdreg s24  }
0xaf: {  	[dreg:$0x3] =	wrdreg s2  }
0xb0: {  	[dreg:$0x4] =	wrdreg $0x9  }
0xb1: {  	_ =	task.clear_ibuf [dreg:s7], $0x5FFFF;
	_ =	strace $0x90000046  }
0xb2: {  	s29 =	simm.s32 $0x9;
	_ =	strace $0x80000048  }
0xb3: {  	_ =	swait.ge [sflag:s29], $0x1  }
0xb4: {  	[sflag:s29] =	ssyncadd.s32 $0xFFFFFFFF  }
0xb5: {  	_ =	strace $0x90000048  }
0xb6: {  	_ =	sfence  }
0xb7: {  	s30 =	sld [smem:$0x0];
	_ =	sdelay $0x2  }
0xb8: {  	s31 =	sshll.u32 s1, $0xD;
	s1 =	sshrl.u32 s1, $0x2  }
0xb9: {  	s3 =	sand.u32 $0x4000, s31;
	s1 =	sadd.s32 s1, s30  }
0xba: {  	s0 =	sor.u32 s3, s0;
	s1 =	sshll.u32 s1, $0x11  }
0xbb: {  	s0 =	sor.u32 s1, s0  }
0xbc: {  	s0 =	sadd.s32 $0x8F2B, s0  }
0xbd: {  	[sflag:s0] =	ssyncadd.remote.s32 $0x1  }
0xbe: {  	_ =	sfence.sel $0xFFFF  }
0xbf: {  	[dreg:$0x0] =	wrdreg $0xFFFFFFFF;
	(pc) =	sbr.abs _section_cstart, $3  }
0xc0: {  	[dreg:$0x1] =	wrdreg $0xFFFFFFFF  }
0xc1: {  	_ =	task.clear_ibuf [dreg:s7], $0x2FFFF;
	_ =	strace $0x9FFFFFFF  }
0xc2: {  	(tm) =	ssettm $0x7FFFFFFF  }
0xc3: {  	_ =	shalt  }
tec
execute0_lowered:
.L_overlay_start_1:
0x0: {  	(tag) =	ssettag $0x1  }
0x1: {  	s0 =	srdreg.scid;
	s1 =	rddreg [dreg:$0x0]  }
0x2: {  	s6 =	stileid.u32;
	s2 =	rddreg [dreg:$0x1];
	s13 =	simm.s32 $0x7  }
0x3: {  	s15 =	simm.s32 $0x100;
	s16 =	simm.s32 $0x400;
	s19 =	simm.s32 $0x1  }
0x4: {  	s20 =	simm.s32 $0x3;
	s21 =	simm.s32 $0x5;
	s22 =	simm.s32 $0x19180  }
0x5: {  	s23 =	simm.s32 $0x1A580;
	s24 =	simm.s32 $0x1B980;
	s25 =	simm.s32 $0x4E80  }
0x6: {  	s28 =	simm.s32 $0x2;
	s29 =	simm.s32 $0x4;
	s30 =	simm.s32 $0x6  }
0x7: {  	s0 =	sand.u32 $0x1, s0;
	s3 =	sshll.u32 s6, $0x1;
	s6 =	sshrl.u32 s6, $0x1  }
0x8: {  	s31 =	simm.s32 $0x0;
	s5 =	sor.u32 s0, s3;
	s6 =	smul.u32 $0x271000, s6  }
0x9: {  	s3 =	simm.s32 $0x0;
	s0 =	ssub.s32 $0x2, s0;
	s4 =	smul.u32 $0x9C4, s5  }
0xa: {  	[smem:$0x7FF] =	sst s3;
	s8 =	sshll.u32 s5, $0x8;
	s9 =	smul.u32 $0x1388, s5  }
0xb: {  	s5 =	sadd.s32 $0x289A00, s1;
	s10 =	sshrl.u32 s0, $0x1;
	_ =	strace $0x80000047  }
0xc: {  	s8 =	sand.u32 $0x300, s8;
	s0 =	ssub.s32 s0, s10;
	s7 =	sadd.s32 s4, s1  }
0xd: {  	s4 =	sadd.s32 $0x18A00, s1;
	s6 =	sor.u32 s6, s8;
	s1 =	sadd.s32 s9, s1  }
0xe: {  	s12 =	smax.u32 s0, $0x1;
	s26 =	sshrl.u32 s6, $0x3;
	s7 =	sadd.s32 $0x5000, s7  }
0xf: {  	s10 =	sadd.s32 $0x4FAA00, s1;
	s11 =	sadd.s32 $0x521C00, s1;
	[dreg:$0x3] =	wrdreg s7  }
0x10: {  	v0 =	vimm.f32 $0.0e+00;
	s8 =	sadd.s32 s4, s26;
	s9 =	sadd.s32 s5, s26;
	s26 =	simm.s32 $0xEB00  }
.LBB2_1:
0x11: {  	s0 =	rddreg [dreg:$0x3]  }
0x12: {  	[tilespmem:s3], [sflag:$0x7] =	stream.linear.gather [hbm4b:s0+s3], $0x4E20, $0x38;
	[tilespmem:$0x1C380] =	vst v63  }
0x13: {  	_ =	swait.ge [sflag:s13], $0x4E20  }
0x14: {  	[sflag:s13] =	ssyncset.done $0x0  }
0x15: {  	s0 =	simm.s32 $0x4EC0;
	[sflag:s13] =	ssyncadd.s32 $0xFFFFB1E0  }
0x16: {  	[tilespmem:s0+$0x30] =	vst v0  }
0x17: {  	[tilespmem:s0+$0xFFFFFFF0] =	vst v0  }
0x18: {  	[tilespmem:s0+$0xFFFFFFC0] =	vst v0  }
0x19: {  	[tilespmem:s0+$0xFFFFFFE0] =	vst v0  }
0x1a: {  	[tilespmem:s0+$0x10] =	vst v0  }
0x1b: {  	[tilespmem:s0+$0x20] =	vst v0  }
0x1c: {  	[tilespmem:s0+$0x0] =	vst v0  }
0x1d: {  	s1 =	simm.s32 $0xEB40;
	[tilespmem:s0+$0xFFFFFFD0] =	vst v0  }
0x1e: {  	[tilespmem:s1+$0xFFFFFFC0] =	vst v0  }
0x1f: {  	[tilespmem:s1+$0x30] =	vst v0  }
0x20: {  	[tilespmem:s1+$0x20] =	vst v0  }
0x21: {  	[tilespmem:s1+$0x10] =	vst v0  }
0x22: {  	[tilespmem:s1+$0xFFFFFFE0] =	vst v0  }
0x23: {  	[tilespmem:s1+$0x0] =	vst v0  }
0x24: {  	s7 =	simm.s32 $0x0;
	[tilespmem:s1+$0xFFFFFFF0] =	vst v0  }
.LBB2_2:
0x25: {  	s7 =	sadd.s32 $0x8, s7;
	[tilespmem:s1+$0xFFFFFFD0] =	vst v0;
	s0 =	sadd.s32 $0x80, s0;
	s1 =	sadd.s32 $0x80, s1  }
0x26: {  	[tilespmem:s0+$0x30] =	vst v0;
	p0 =	slt.u32 s7, $0x9B8  }
0x27: {  	[tilespmem:s0+$0xFFFFFFF0] =	vst v0  }
0x28: {  	[tilespmem:s0+$0xFFFFFFC0] =	vst v0  }
0x29: {  	[tilespmem:s1+$0xFFFFFFC0] =	vst v0  }
0x2a: {  	[tilespmem:s1+$0x30] =	vst v0  }
0x2b: {  	[tilespmem:s0+$0xFFFFFFE0] =	vst v0  }
0x2c: {  	[tilespmem:s0+$0x10] =	vst v0  }
0x2d: {  	[tilespmem:s0+$0x20] =	vst v0  }
0x2e: {  	[tilespmem:s1+$0x20] =	vst v0  }
0x2f: {  	[tilespmem:s1+$0x10] =	vst v0  }
.Ltmp0:
0x30: {  	[tilespmem:s1+$0xFFFFFFE0] =	vst v0;
	(pc) =	sbr.rel @p0 .LBB2_2-.Ltmp0, $4  }
0x31: {  	[tilespmem:s0+$0x0] =	vst v0  }
0x32: {  	[tilespmem:s1+$0x0] =	vst v0  }
0x33: {  	[tilespmem:s1+$0xFFFFFFF0] =	vst v0  }
0x34: {  	s14 =	simm.s32 $0x0;
	[tilespmem:s0+$0xFFFFFFD0] =	vst v0  }
0x35: {  	[tilespmem:s1+$0xFFFFFFD0] =	vst v0  }
.LBB2_4:
0x36: {  	p0 =	sne.s32 s14, $0xC0  }
.Ltmp1:
0x37: {  	_ = 	snop;
	(pc) =	sbr.rel @p0 .LBB2_4-.Ltmp1, $4  }
0x38: {  	_ = 	snop  }
0x39: {  	s0 =	sshra.s32 s14, $0x2  }
0x3a: {  	[tilespmem:s0+$0xEA80] =	vst v0  }
0x3b: {  	s14 =	sadd.s32 $0x40, s14;
	[tilespmem:s0+$0x18700] =	vst v0  }
0x3c: {  	s1 =	simm.s32 $0x0;
	s0 =	simm.s32 $0x18780  }
0x3d: {  	[tilespmem:s0], [sflag:$0x1] =	stream.linear.gather [hbm4b:s2+s1], $0xA00, $0x38;
	[tilespmem:$0x1C380] =	vst v63  }
0x3e: {  	s17 =	simm.s32 $0x19B80  }
0x3f: {  	[tilespmem:s17], [sflag:$0x3] =	stream.strided.gather [hbm4b:s8+s15], $0xA00, s16, s15, $0x38;
	[tilespmem:$0x1C380] =	vst v63  }
0x40: {  	s18 =	simm.s32 $0x1AF80  }
0x41: {  	[tilespmem:s18], [sflag:$0x5] =	stream.strided.gather [hbm4b:s9+s15], $0xA00, s16, s15, $0x38;
	[tilespmem:$0x1C380] =	vst v63  }
.LBB2_6:
0x42: {  	_ =	swait.ge [sflag:s19], $0xA00  }
0x43: {  	[sflag:s19] =	ssyncset.done $0x0  }
0x44: {  	[sflag:s19] =	ssyncadd.s32 $0xFFFFF600  }
0x45: {  	s0 =	sshllo.u32 s1, $0x1;
	_ =	swait.ge [sflag:s20], $0xA00  }
0x46: {  	s7 =	smul.u32 $0x140, s0;
	[sflag:s20] =	ssyncset.done $0x0  }
0x47: {  	s0 =	smul.u32 $0x2800, s0;
	[sflag:s20] =	ssyncadd.s32 $0xFFFFF600  }
0x48: {  	_ =	swait.ge [sflag:s21], $0xA00  }
0x49: {  	s0 =	sadd.s32 s6, s0;
	[sflag:s21] =	ssyncset.done $0x0  }
0x4a: {  	s7 =	sadd.s32 s2, s7;
	s0 =	sshrl.u32 s0, $0x3;
	[sflag:s21] =	ssyncadd.s32 $0xFFFFF600  }
0x4b: {  	[tilespmem:s22], [sflag:$0x2] =	stream.linear.gather [hbm4b:s7+s3], $0xA00, $0x38;
	[tilespmem:$0x1C380] =	vst v63  }
0x4c: {  	s17 =	sadd.s32 s4, s0  }
0x4d: {  	[tilespmem:s23], [sflag:$0x4] =	stream.strided.gather [hbm4b:s17+s15], $0xA00, s16, s15, $0x38;
	[tilespmem:$0x1C380] =	vst v63  }
0x4e: {  	s18 =	simm.s32 $0x18800;
	s0 =	sadd.s32 s5, s0  }
0x4f: {  	[tilespmem:s24], [sflag:$0x6] =	stream.strided.gather [hbm4b:s0+s15], $0xA00, s16, s15, $0x38;
	[tilespmem:$0x1C380] =	vst v63  }
0x50: {  	v1 =	vld [tilespmem:s18+$0xFFFFFFF0]  }
0x51: {  	v10 =	vld [tilespmem:s18+$0xFFFFFF90]  }
0x52: {  	v9 =	vld [tilespmem:s18+$0xFFFFFFA0]  }
0x53: {  	v7 =	vld [tilespmem:s18+$0xFFFFFFB0]  }
0x54: {  	v6 =	vld [tilespmem:s18+$0xFFFFFFC0]  }
0x55: {  	v5 =	vld [tilespmem:s18+$0xFFFFFFD0]  }
0x56: {  	v4 =	vld [tilespmem:s18+$0xFFFFFFE0]  }
0x57: {  	s0 =	simm.s32 $0x19C00;
	v2 =	vld [tilespmem:s18+$0x70]  }
0x58: {  	v8 =	vld [tilespmem:s0+$0xFFFFFFF0]  }
0x59: {  	s14 =	simm.s32 $0x1B000;
	v12 =	vld [tilespmem:s18+$0xFFFFFF80]  }
0x5a: {  	v11 =	vld [tilespmem:s14+$0xFFFFFFF0]  }
0x5b: {  	v22 =	vld [tilespmem:s0+$0xFFFFFF80]  }
0x5c: {  	v23 =	vld [tilespmem:s14+$0xFFFFFF80]  }
0x5d: {  	v24 =	vld [tilespmem:s0+$0xFFFFFF90]  }
0x5e: {  	v25 =	vld [tilespmem:s14+$0xFFFFFF90]  }
0x5f: {  	v63 =	vld [tilespmem:s0+$0xFFFFFFA0]  }
0x60: {  	v27 =	vld [tilespmem:s14+$0xFFFFFFA0]  }
0x61: {  	v28 =	vld [tilespmem:s0+$0xFFFFFFB0]  }
0x62: {  	v29 =	vld [tilespmem:s14+$0xFFFFFFB0]  }
0x63: {  	v30 =	vld [tilespmem:s0+$0xFFFFFFC0]  }
0x64: {  	v3 =	vld.idx.msk [tilespmem:v1+s3+$0x0], $0xffff  }
0x65: {  	v31 =	vld [tilespmem:s14+$0xFFFFFFC0]  }
0x66: {  	v32 =	vld [tilespmem:s0+$0xFFFFFFD0]  }
0x67: {  	v33 =	vld [tilespmem:s14+$0xFFFFFFD0]  }
0x68: {  	v34 =	vld [tilespmem:s0+$0xFFFFFFE0];
	v13 =	vadd.s32 $0x2710, v2  }
0x69: {  	v35 =	vld [tilespmem:s14+$0xFFFFFFE0];
	v15 =	vunpack.i.l.bf16.f32 v8;
	v14 =	vunpack.i.l.bf16.f32 v3  }
0x6a: {  	v8 =	vunpack.i.u.bf16.f32 v8;
	v17 =	vld.idx.msk [tilespmem:v10+s3+$0x0], $0xffff;
	v3 =	vunpack.i.u.bf16.f32 v3;
	v16 =	vmul.f32 v15, v14  }
0x6b: {  	v21 =	vunpack.i.l.bf16.f32 v11;
	v18 =	vld.idx.msk [tilespmem:v9+s3+$0x0], $0xffff;
	v1 =	vadd.s32 $0x2710, v1;
	v8 =	vmul.f32 v8, v3  }
0x6c: {  	v11 =	vunpack.i.u.bf16.f32 v11;
	v14 =	vmul.f32 v21, v14;
	[tilespmem:v2+s25+$0x0] =	vst.idx.add.f32.msk $0xffff, v16  }
0x6d: {  	v3 =	vmul.f32 v11, v3;
	[tilespmem:v13+s25+$0x0] =	vst.idx.add.f32.msk $0xffff, v8  }
0x6e: {  	[tilespmem:v2+s26+$0x0] =	vst.idx.add.f32.msk $0xffff, v14  }
0x6f: {  	[tilespmem:v13+s26+$0x0] =	vst.idx.add.f32.msk $0xffff, v3  }
0x70: {  	v1 =	vld.idx.msk [tilespmem:v1+s3+$0x0], $0xffff  }
0x71: {  	v3 =	vld [tilespmem:s0+$0x70]  }
0x72: {  	v8 =	vld [tilespmem:s14+$0x70]  }
0x73: {  	v19 =	vld.idx.msk [tilespmem:v7+s3+$0x0], $0xffff  }
0x74: {  	v20 =	vld.idx.msk [tilespmem:v6+s3+$0x0], $0xffff;
	v11 =	vadd.s32 $0x4E20, v2  }
0x75: {  	v60 =	vld.idx.msk [tilespmem:v12+s3+$0x0], $0xffff;
	v2 =	vadd.s32 $0x7530, v2;
	v61 =	vunpack.i.l.bf16.f32 v1  }
0x76: {  	v15 =	vld.idx.msk [tilespmem:v5+s3+$0x0], $0xffff;
	v62 =	vunpack.i.l.bf16.f32 v3;
	v1 =	vunpack.i.u.bf16.f32 v1;
	v3 =	vunpack.i.u.bf16.f32 v3  }
0x77: {  	v16 =	vld.idx.msk [tilespmem:v4+s3+$0x0], $0xffff;
	v26 =	vunpack.i.l.bf16.f32 v8;
	v8 =	vunpack.i.u.bf16.f32 v8;
	v14 =	vmul.f32 v62, v61  }
0x78: {  	v3 =	vmul.f32 v3, v1;
	v1 =	vmul.f32 v8, v1;
	v8 =	vld [tilespmem:s18+$0x30]  }
0x79: {  	[tilespmem:v11+s25+$0x0] =	vst.idx.add.f32.msk $0xffff, v14  }
0x7a: {  	v14 =	vld [tilespmem:s18+$0x0]  }
0x7b: {  	v13 =	vmul.f32 v26, v61;
	[tilespmem:v2+s25+$0x0] =	vst.idx.add.f32.msk $0xffff, v3  }
0x7c: {  	v3 =	vld [tilespmem:s18+$0x40]  }
0x7d: {  	v39 =	vunpack.i.l.bf16.f32 v24;
	v24 =	vunpack.i.u.bf16.f32 v24;
	[tilespmem:v11+s26+$0x0] =	vst.idx.add.f32.msk $0xffff, v13  }
0x7e: {  	v49 =	vunpack.i.l.bf16.f32 v63;
	v50 =	vunpack.i.u.bf16.f32 v63;
	v55 =	vunpack.i.l.bf16.f32 v28;
	v13 =	vld [tilespmem:s18+$0x10]  }
0x7f: {  	v57 =	vunpack.i.u.bf16.f32 v28;
	v59 =	vunpack.i.l.bf16.f32 v29;
	v63 =	vunpack.i.l.bf16.f32 v30;
	v11 =	vld [tilespmem:s18+$0x20]  }
0x80: {  	v36 =	vunpack.i.l.bf16.f32 v60;
	v54 =	vunpack.i.l.bf16.f32 v19;
	[tilespmem:v2+s26+$0x0] =	vst.idx.add.f32.msk $0xffff, v1;
	v53 =	vadd.s32 $0x2710, v8  }
0x81: {  	v38 =	vunpack.i.l.bf16.f32 v17;
	v58 =	vmul.f32 v55, v54;
	v1 =	vunpack.i.l.bf16.f32 v22;
	v2 =	vld [tilespmem:s18+$0x50]  }
0x82: {  	v56 =	vunpack.i.u.bf16.f32 v19;
	v21 =	vunpack.i.u.bf16.f32 v60;
	v40 =	vmul.f32 v1, v36;
	v1 =	vld [tilespmem:s18+$0x60]  }
0x83: {  	v19 =	vmul.f32 v57, v56;
	v62 =	vunpack.i.l.bf16.f32 v20;
	v37 =	vadd.s32 $0x2710, v14;
	[tilespmem:v8+s25+$0x0] =	vst.idx.add.f32.msk $0xffff, v58  }
0x84: {  	v60 =	vunpack.i.u.bf16.f32 v29;
	v29 =	vunpack.i.u.bf16.f32 v30;
	v30 =	vmul.f32 v63, v62;
	[tilespmem:v14+s25+$0x0] =	vst.idx.add.f32.msk $0xffff, v40  }
0x85: {  	v17 =	vunpack.i.u.bf16.f32 v17;
	v39 =	vmul.f32 v39, v38;
	v22 =	vunpack.i.u.bf16.f32 v22;
	[tilespmem:v53+s25+$0x0] =	vst.idx.add.f32.msk $0xffff, v19  }
0x86: {  	v48 =	vunpack.i.l.bf16.f32 v18;
	v22 =	vmul.f32 v22, v21;
	v61 =	vadd.s32 $0x2710, v3;
	[tilespmem:v3+s25+$0x0] =	vst.idx.add.f32.msk $0xffff, v30  }
0x87: {  	v41 =	vunpack.i.l.bf16.f32 v23;
	v45 =	vmul.f32 v24, v17;
	v24 =	vmul.f32 v49, v48;
	[tilespmem:v13+s25+$0x0] =	vst.idx.add.f32.msk $0xffff, v39  }
0x88: {  	v28 =	vunpack.i.u.bf16.f32 v20;
	v36 =	vmul.f32 v41, v36;
	v42 =	vadd.s32 $0x2710, v13;
	[tilespmem:v37+s25+$0x0] =	vst.idx.add.f32.msk $0xffff, v22  }
0x89: {  	v23 =	vunpack.i.u.bf16.f32 v23;
	v47 =	vadd.s32 $0x2710, v11;
	v19 =	vmul.f32 v29, v28;
	[tilespmem:v11+s25+$0x0] =	vst.idx.add.f32.msk $0xffff, v24  }
0x8a: {  	v21 =	vmul.f32 v23, v21;
	[tilespmem:v14+s26+$0x0] =	vst.idx.add.f32.msk $0xffff, v36  }
0x8b: {  	v12 =	vadd.s32 $0x2710, v12;
	v18 =	vunpack.i.u.bf16.f32 v18;
	[tilespmem:v61+s25+$0x0] =	vst.idx.add.f32.msk $0xffff, v19  }
0x8c: {  	v44 =	vunpack.i.l.bf16.f32 v25;
	v23 =	vmul.f32 v50, v18;
	[tilespmem:v37+s26+$0x0] =	vst.idx.add.f32.msk $0xffff, v21  }
0x8d: {  	v22 =	vmul.f32 v44, v38;
	[tilespmem:v42+s25+$0x0] =	vst.idx.add.f32.msk $0xffff, v45  }
0x8e: {  	v46 =	vunpack.i.u.bf16.f32 v25;
	[tilespmem:v47+s25+$0x0] =	vst.idx.add.f32.msk $0xffff, v23  }
0x8f: {  	v51 =	vunpack.i.l.bf16.f32 v27;
	v10 =	vadd.s32 $0x2710, v10;
	v17 =	vmul.f32 v46, v17;
	[tilespmem:v13+s26+$0x0] =	vst.idx.add.f32.msk $0xffff, v22  }
0x90: {  	v21 =	vmul.f32 v51, v48;
	v12 =	vld.idx.msk [tilespmem:v12+s3+$0x0], $0xffff  }
0x91: {  	[tilespmem:v42+s26+$0x0] =	vst.idx.add.f32.msk $0xffff, v17  }
0x92: {  	v52 =	vunpack.i.u.bf16.f32 v27;
	[tilespmem:v11+s26+$0x0] =	vst.idx.add.f32.msk $0xffff, v21  }
0x93: {  	v17 =	vmul.f32 v52, v18;
	v52 =	vld [tilespmem:s0+$0x0]  }
0x94: {  	v10 =	vld.idx.msk [tilespmem:v10+s3+$0x0], $0xffff  }
0x95: {  	v38 =	vadd.s32 $0x2710, v2;
	v21 =	vmul.f32 v59, v54;
	v54 =	vld [tilespmem:s0+$0x10]  }
0x96: {  	v9 =	vadd.s32 $0x2710, v9;
	v40 =	vunpack.i.l.bf16.f32 v32;
	v39 =	vunpack.i.l.bf16.f32 v15;
	v55 =	vld [tilespmem:s14+$0x10]  }
0x97: {  	v41 =	vunpack.i.u.bf16.f32 v32;
	v15 =	vunpack.i.u.bf16.f32 v15;
	v42 =	vmul.f32 v40, v39;
	[tilespmem:v47+s26+$0x0] =	vst.idx.add.f32.msk $0xffff, v17  }
0x98: {  	v18 =	vmul.f32 v41, v15;
	[tilespmem:v8+s26+$0x0] =	vst.idx.add.f32.msk $0xffff, v21  }
0x99: {  	[tilespmem:v2+s25+$0x0] =	vst.idx.add.f32.msk $0xffff, v42  }
0x9a: {  	[tilespmem:v38+s25+$0x0] =	vst.idx.add.f32.msk $0xffff, v18  }
0x9b: {  	v9 =	vld.idx.msk [tilespmem:v9+s3+$0x0], $0xffff  }
0x9c: {  	v36 =	vunpack.i.l.bf16.f32 v31;
	v17 =	vmul.f32 v60, v56;
	v56 =	vld [tilespmem:s0+$0x20]  }
0x9d: {  	v43 =	vunpack.i.l.bf16.f32 v33;
	v21 =	vmul.f32 v36, v62;
	v57 =	vld [tilespmem:s14+$0x20]  }
0x9e: {  	v20 =	vmul.f32 v43, v39;
	[tilespmem:v53+s26+$0x0] =	vst.idx.add.f32.msk $0xffff, v17  }
0x9f: {  	v7 =	vadd.s32 $0x2710, v7;
	v44 =	vunpack.i.u.bf16.f32 v33;
	[tilespmem:v3+s26+$0x0] =	vst.idx.add.f32.msk $0xffff, v21  }
0xa0: {  	v46 =	vunpack.i.l.bf16.f32 v16;
	v15 =	vmul.f32 v44, v15;
	v47 =	vunpack.i.l.bf16.f32 v34;
	[tilespmem:v2+s26+$0x0] =	vst.idx.add.f32.msk $0xffff, v20  }
0xa1: {  	v49 =	vmul.f32 v47, v46;
	v53 =	vld [tilespmem:s14+$0x0]  }
0xa2: {  	[tilespmem:v38+s26+$0x0] =	vst.idx.add.f32.msk $0xffff, v15  }
0xa3: {  	v5 =	vadd.s32 $0x2710, v5;
	[tilespmem:v1+s25+$0x0] =	vst.idx.add.f32.msk $0xffff, v49  }
0xa4: {  	v37 =	vunpack.i.u.bf16.f32 v31;
	v7 =	vld.idx.msk [tilespmem:v7+s3+$0x0], $0xffff  }
0xa5: {  	v17 =	vmul.f32 v37, v28;
	v58 =	vld [tilespmem:s0+$0x30]  }
0xa6: {  	v6 =	vadd.s32 $0x2710, v6;
	v59 =	vld [tilespmem:s14+$0x30]  }
0xa7: {  	[tilespmem:v61+s26+$0x0] =	vst.idx.add.f32.msk $0xffff, v17  }
0xa8: {  	v5 =	vld.idx.msk [tilespmem:v5+s3+$0x0], $0xffff  }
0xa9: {  	v45 =	vadd.s32 $0x2710, v1;
	v26 =	vld [tilespmem:s0+$0x50]  }
0xaa: {  	v4 =	vadd.s32 $0x2710, v4;
	v29 =	vld [tilespmem:s14+$0x50]  }
0xab: {  	v16 =	vunpack.i.u.bf16.f32 v16;
	v48 =	vunpack.i.u.bf16.f32 v34;
	v60 =	vadd.s32 $0x4E20, v14;
	v6 =	vld.idx.msk [tilespmem:v6+s3+$0x0], $0xffff  }
0xac: {  	v50 =	vunpack.i.l.bf16.f32 v35;
	v63 =	vadd.s32 $0x4E20, v13;
	v17 =	vmul.f32 v48, v16;
	v23 =	vld [tilespmem:s0+$0x40]  }
0xad: {  	v19 =	vmul.f32 v50, v46;
	v62 =	vunpack.i.l.bf16.f32 v52;
	v61 =	vunpack.i.l.bf16.f32 v12;
	v25 =	vld [tilespmem:s14+$0x40]  }
0xae: {  	v38 =	vunpack.i.l.bf16.f32 v10;
	v39 =	vunpack.i.l.bf16.f32 v54;
	v28 =	vmul.f32 v62, v61;
	[tilespmem:v45+s25+$0x0] =	vst.idx.add.f32.msk $0xffff, v17  }
0xaf: {  	v51 =	vunpack.i.u.bf16.f32 v35;
	v41 =	vmul.f32 v39, v38;
	[tilespmem:v1+s26+$0x0] =	vst.idx.add.f32.msk $0xffff, v19  }
0xb0: {  	v15 =	vmul.f32 v51, v16;
	[tilespmem:v60+s25+$0x0] =	vst.idx.add.f32.msk $0xffff, v28  }
0xb1: {  	v50 =	vadd.s32 $0x4E20, v8;
	v13 =	vadd.s32 $0x7530, v13;
	v42 =	vadd.s32 $0x4E20, v11;
	[tilespmem:v63+s25+$0x0] =	vst.idx.add.f32.msk $0xffff, v41  }
0xb2: {  	v14 =	vadd.s32 $0x7530, v14;
	v12 =	vunpack.i.u.bf16.f32 v12;
	v40 =	vunpack.i.u.bf16.f32 v54;
	[tilespmem:v45+s26+$0x0] =	vst.idx.add.f32.msk $0xffff, v15  }
0xb3: {  	v46 =	vunpack.i.l.bf16.f32 v9;
	v47 =	vunpack.i.l.bf16.f32 v56;
	v36 =	vunpack.i.l.bf16.f32 v53;
	v4 =	vld.idx.msk [tilespmem:v4+s3+$0x0], $0xffff  }
0xb4: {  	v16 =	vunpack.i.u.bf16.f32 v53;
	v49 =	vmul.f32 v47, v46;
	v15 =	vunpack.i.u.bf16.f32 v52;
	v30 =	vld [tilespmem:s0+$0x60]  }
0xb5: {  	v53 =	vunpack.i.l.bf16.f32 v7;
	v54 =	vunpack.i.l.bf16.f32 v58;
	v15 =	vmul.f32 v15, v12;
	v37 =	vld [tilespmem:s14+$0x60]  }
0xb6: {  	v43 =	vunpack.i.l.bf16.f32 v55;
	v44 =	vunpack.i.u.bf16.f32 v55;
	[tilespmem:v42+s25+$0x0] =	vst.idx.add.f32.msk $0xffff, v49;
	v55 =	vmul.f32 v54, v53  }
0xb7: {  	v27 =	vmul.f32 v36, v61;
	[tilespmem:v14+s25+$0x0] =	vst.idx.add.f32.msk $0xffff, v15  }
0xb8: {  	v10 =	vunpack.i.u.bf16.f32 v10;
	v12 =	vmul.f32 v16, v12;
	[tilespmem:v50+s25+$0x0] =	vst.idx.add.f32.msk $0xffff, v55  }
0xb9: {  	v11 =	vadd.s32 $0x7530, v11;
	v15 =	vmul.f32 v40, v10;
	[tilespmem:v60+s26+$0x0] =	vst.idx.add.f32.msk $0xffff, v27  }
0xba: {  	v45 =	vmul.f32 v43, v38;
	[tilespmem:v14+s26+$0x0] =	vst.idx.add.f32.msk $0xffff, v12  }
0xbb: {  	v9 =	vunpack.i.u.bf16.f32 v9;
	v48 =	vunpack.i.u.bf16.f32 v56;
	v10 =	vmul.f32 v44, v10;
	[tilespmem:v13+s25+$0x0] =	vst.idx.add.f32.msk $0xffff, v15  }
0xbc: {  	v8 =	vadd.s32 $0x7530, v8;
	v51 =	vunpack.i.l.bf16.f32 v57;
	v12 =	vmul.f32 v48, v9;
	[tilespmem:v63+s26+$0x0] =	vst.idx.add.f32.msk $0xffff, v45  }
0xbd: {  	v52 =	vmul.f32 v51, v46;
	[tilespmem:v13+s26+$0x0] =	vst.idx.add.f32.msk $0xffff, v10;
	v10 =	vunpack.i.u.bf16.f32 v57  }
0xbe: {  	v7 =	vunpack.i.u.bf16.f32 v7;
	[tilespmem:v11+s25+$0x0] =	vst.idx.add.f32.msk $0xffff, v12;
	v9 =	vmul.f32 v10, v9;
	v10 =	vunpack.i.u.bf16.f32 v58  }
0xbf: {  	v56 =	vadd.s32 $0x4E20, v3;
	v57 =	vunpack.i.l.bf16.f32 v59;
	[tilespmem:v42+s26+$0x0] =	vst.idx.add.f32.msk $0xffff, v52;
	v10 =	vmul.f32 v10, v7  }
0xc0: {  	v3 =	vadd.s32 $0x7530, v3;
	[tilespmem:v11+s26+$0x0] =	vst.idx.add.f32.msk $0xffff, v9;
	v9 =	vunpack.i.u.bf16.f32 v59;
	v11 =	vmul.f32 v57, v53  }
0xc1: {  	v58 =	vunpack.i.l.bf16.f32 v6;
	v59 =	vunpack.i.l.bf16.f32 v23;
	v7 =	vmul.f32 v9, v7;
	[tilespmem:v8+s25+$0x0] =	vst.idx.add.f32.msk $0xffff, v10  }
0xc2: {  	v6 =	vunpack.i.u.bf16.f32 v6;
	v9 =	vunpack.i.u.bf16.f32 v23;
	v10 =	vmul.f32 v59, v58;
	[tilespmem:v50+s26+$0x0] =	vst.idx.add.f32.msk $0xffff, v11  }
0xc3: {  	v60 =	vunpack.i.l.bf16.f32 v25;
	v11 =	vadd.s32 $0x4E20, v2;
	v9 =	vmul.f32 v9, v6;
	[tilespmem:v8+s26+$0x0] =	vst.idx.add.f32.msk $0xffff, v7  }
0xc4: {  	v2 =	vadd.s32 $0x7530, v2;
	v7 =	vunpack.i.u.bf16.f32 v25;
	v8 =	vmul.f32 v60, v58;
	[tilespmem:v56+s25+$0x0] =	vst.idx.add.f32.msk $0xffff, v10  }
0xc5: {  	v61 =	vunpack.i.l.bf16.f32 v26;
	v10 =	vunpack.i.l.bf16.f32 v5;
	v6 =	vmul.f32 v7, v6;
	[tilespmem:v3+s25+$0x0] =	vst.idx.add.f32.msk $0xffff, v9  }
0xc6: {  	v5 =	vunpack.i.u.bf16.f32 v5;
	v7 =	vunpack.i.u.bf16.f32 v26;
	v9 =	vmul.f32 v61, v10;
	[tilespmem:v56+s26+$0x0] =	vst.idx.add.f32.msk $0xffff, v8  }
0xc7: {  	v62 =	vadd.s32 $0x4E20, v1;
	v8 =	vunpack.i.l.bf16.f32 v29;
	v7 =	vmul.f32 v7, v5;
	[tilespmem:v3+s26+$0x0] =	vst.idx.add.f32.msk $0xffff, v6  }
0xc8: {  	v1 =	vadd.s32 $0x7530, v1;
	v3 =	vunpack.i.u.bf16.f32 v29;
	v6 =	vmul.f32 v8, v10;
	[tilespmem:v11+s25+$0x0] =	vst.idx.add.f32.msk $0xffff, v9  }
0xc9: {  	v8 =	vunpack.i.l.bf16.f32 v4;
	v9 =	vunpack.i.l.bf16.f32 v30;
	v3 =	vmul.f32 v3, v5;
	[tilespmem:v2+s25+$0x0] =	vst.idx.add.f32.msk $0xffff, v7  }
0xca: {  	v63 =	vunpack.i.u.bf16.f32 v30;
	v4 =	vunpack.i.u.bf16.f32 v4;
	v7 =	vmul.f32 v9, v8;
	[tilespmem:v11+s26+$0x0] =	vst.idx.add.f32.msk $0xffff, v6  }
0xcb: {  	v5 =	vmul.f32 v63, v4;
	v6 =	vunpack.i.l.bf16.f32 v37;
	[tilespmem:v2+s26+$0x0] =	vst.idx.add.f32.msk $0xffff, v3  }
0xcc: {  	v2 =	vmul.f32 v6, v8;
	[tilespmem:v62+s25+$0x0] =	vst.idx.add.f32.msk $0xffff, v7  }
0xcd: {  	v3 =	vunpack.i.u.bf16.f32 v37;
	[tilespmem:v1+s25+$0x0] =	vst.idx.add.f32.msk $0xffff, v5  }
0xce: {  	s7 =	simm.s32 $0x18900;
	s17 =	sshll.u32 s1, $0x1;
	s18 =	simm.s32 $0x0;
	v8 =	vmul.f32 v3, v4;
	[tilespmem:v62+s26+$0x0] =	vst.idx.add.f32.msk $0xffff, v2  }
.LBB2_7:
0xcf: {  	v9 =	vld [tilespmem:s7+$0xFFFFFFF0]  }
0xd0: {  	v10 =	vld [tilespmem:s7+$0xFFFFFF90]  }
0xd1: {  	v11 =	vld [tilespmem:s7+$0xFFFFFFA0]  }
0xd2: {  	v12 =	vld [tilespmem:s7+$0xFFFFFFB0]  }
0xd3: {  	v13 =	vld [tilespmem:s7+$0xFFFFFFC0]  }
0xd4: {  	v14 =	vld [tilespmem:s7+$0xFFFFFFD0]  }
0xd5: {  	s18 =	sadd.s32 $0x8, s18;
	v2 =	vadd.s32 $0x2710, v10;
	v15 =	vld [tilespmem:s7+$0xFFFFFFE0]  }
0xd6: {  	p0 =	slt.u32 s18, $0x48;
	v3 =	vadd.s32 $0x2710, v11;
	v16 =	vld [tilespmem:s7+$0x70]  }
0xd7: {  	s0 =	sadd.s32 $0x100, s0;
	v4 =	vadd.s32 $0x2710, v12;
	v17 =	vld.idx.msk [tilespmem:v9+s3+$0x0], $0xffff  }
0xd8: {  	v5 =	vadd.s32 $0x2710, v13;
	v18 =	vld [tilespmem:s0+$0xFFFFFFF0]  }
0xd9: {  	s14 =	sadd.s32 $0x100, s14;
	v19 =	vld [tilespmem:s7+$0xFFFFFF80];
	v7 =	vadd.s32 $0x2710, v14  }
0xda: {  	v6 =	vadd.s32 $0x2710, v15;
	v20 =	vld [tilespmem:s14+$0xFFFFFFF0]  }
0xdb: {  	v10 =	vld.idx.msk [tilespmem:v10+s3+$0x0], $0xffff  }
0xdc: {  	v21 =	vadd.s32 $0x2710, v16;
	v11 =	vld.idx.msk [tilespmem:v11+s3+$0x0], $0xffff  }
0xdd: {  	v22 =	vunpack.i.l.bf16.f32 v17;
	v12 =	vld.idx.msk [tilespmem:v12+s3+$0x0], $0xffff;
	v23 =	vunpack.i.l.bf16.f32 v18  }
0xde: {  	v17 =	vunpack.i.u.bf16.f32 v17;
	v18 =	vunpack.i.u.bf16.f32 v18;
	v13 =	vld.idx.msk [tilespmem:v13+s3+$0x0], $0xffff;
	v23 =	vmul.f32 v23, v22  }
0xdf: {  	v25 =	vadd.s32 $0x2710, v9;
	v18 =	vmul.f32 v18, v17;
	v14 =	vld.idx.msk [tilespmem:v14+s3+$0x0], $0xffff;
	v24 =	vunpack.i.l.bf16.f32 v20  }
0xe0: {  	v9 =	vadd.s32 $0x2710, v19;
	v20 =	vunpack.i.u.bf16.f32 v20;
	[tilespmem:v16+s25+$0x0] =	vst.idx.add.f32.msk $0xffff, v23;
	v22 =	vmul.f32 v24, v22  }
0xe1: {  	v23 =	vunpack.i.u.bf16.f32 v10;
	v24 =	vunpack.i.l.bf16.f32 v10;
	v10 =	vmul.f32 v20, v17;
	[tilespmem:v21+s25+$0x0] =	vst.idx.add.f32.msk $0xffff, v18  }
0xe2: {  	v17 =	vunpack.i.u.bf16.f32 v11;
	v11 =	vunpack.i.l.bf16.f32 v11;
	[tilespmem:v16+s26+$0x0] =	vst.idx.add.f32.msk $0xffff, v22  }
0xe3: {  	v18 =	vunpack.i.u.bf16.f32 v12;
	v12 =	vunpack.i.l.bf16.f32 v12;
	[tilespmem:v21+s26+$0x0] =	vst.idx.add.f32.msk $0xffff, v10  }
0xe4: {  	v20 =	vunpack.i.u.bf16.f32 v13;
	v13 =	vunpack.i.l.bf16.f32 v13;
	v21 =	vld.idx.msk [tilespmem:v25+s3+$0x0], $0xffff  }
0xe5: {  	v10 =	vunpack.i.u.bf16.f32 v14;
	v14 =	vunpack.i.l.bf16.f32 v14;
	v22 =	vld [tilespmem:s0+$0x70]  }
0xe6: {  	v19 =	vld.idx.msk [tilespmem:v19+s3+$0x0], $0xffff  }
0xe7: {  	v25 =	vld [tilespmem:s14+$0x70]  }
0xe8: {  	v26 =	vadd.s32 $0x4E20, v16;
	v15 =	vld.idx.msk [tilespmem:v15+s3+$0x0], $0xffff  }
0xe9: {  	v16 =	vadd.s32 $0x7530, v16;
	v27 =	vld [tilespmem:s0+$0xFFFFFF80]  }
0xea: {  	v29 =	vunpack.i.l.bf16.f32 v21;
	v28 =	vld [tilespmem:s14+$0xFFFFFF80];
	v30 =	vunpack.i.l.bf16.f32 v22  }
0xeb: {  	v21 =	vunpack.i.u.bf16.f32 v21;
	v22 =	vunpack.i.u.bf16.f32 v22;
	v31 =	vld [tilespmem:s0+$0xFFFFFF90];
	v30 =	vmul.f32 v30, v29  }
0xec: {  	v32 =	vunpack.i.u.bf16.f32 v19;
	v22 =	vmul.f32 v22, v21;
	v33 =	vld [tilespmem:s14+$0xFFFFFF90];
	v34 =	vunpack.i.l.bf16.f32 v25  }
0xed: {  	v19 =	vunpack.i.l.bf16.f32 v19;
	v25 =	vunpack.i.u.bf16.f32 v25;
	[tilespmem:v26+s25+$0x0] =	vst.idx.add.f32.msk $0xffff, v30;
	v29 =	vmul.f32 v34, v29  }
0xee: {  	v30 =	vunpack.i.u.bf16.f32 v15;
	v15 =	vunpack.i.l.bf16.f32 v15;
	v21 =	vmul.f32 v25, v21;
	[tilespmem:v16+s25+$0x0] =	vst.idx.add.f32.msk $0xffff, v22  }
0xef: {  	v22 =	vunpack.i.u.bf16.f32 v27;
	v25 =	vunpack.i.l.bf16.f32 v27;
	v27 =	vunpack.i.u.bf16.f32 v28;
	[tilespmem:v26+s26+$0x0] =	vst.idx.add.f32.msk $0xffff, v29  }
0xf0: {  	v26 =	vunpack.i.l.bf16.f32 v28;
	v28 =	vunpack.i.u.bf16.f32 v31;
	v29 =	vunpack.i.l.bf16.f32 v31;
	[tilespmem:v16+s26+$0x0] =	vst.idx.add.f32.msk $0xffff, v21  }
0xf1: {  	v16 =	vmul.f32 v25, v19;
	v21 =	vunpack.i.u.bf16.f32 v33;
	v25 =	vunpack.i.l.bf16.f32 v33;
	v31 =	vld [tilespmem:s0+$0xFFFFFFA0]  }
0xf2: {  	v22 =	vmul.f32 v22, v32;
	v19 =	vmul.f32 v26, v19;
	v26 =	vld [tilespmem:s14+$0xFFFFFFA0]  }
0xf3: {  	v27 =	vmul.f32 v27, v32;
	v29 =	vmul.f32 v29, v24;
	v32 =	vld [tilespmem:s0+$0xFFFFFFB0]  }
0xf4: {  	v28 =	vmul.f32 v28, v23;
	v24 =	vmul.f32 v25, v24;
	v25 =	vld [tilespmem:s14+$0xFFFFFFB0]  }
0xf5: {  	v23 =	vmul.f32 v21, v23;
	v21 =	vld [tilespmem:s0+$0xFFFFFFC0]  }
0xf6: {  	v33 =	vunpack.i.u.bf16.f32 v31;
	v31 =	vunpack.i.l.bf16.f32 v31;
	v34 =	vld [tilespmem:s14+$0xFFFFFFC0]  }
0xf7: {  	v35 =	vunpack.i.u.bf16.f32 v26;
	v26 =	vunpack.i.l.bf16.f32 v26;
	v31 =	vmul.f32 v31, v11;
	v36 =	vld [tilespmem:s0+$0xFFFFFFD0]  }
0xf8: {  	v33 =	vmul.f32 v33, v17;
	v37 =	vunpack.i.u.bf16.f32 v32;
	v32 =	vunpack.i.l.bf16.f32 v32;
	v38 =	vld [tilespmem:s14+$0xFFFFFFD0]  }
0xf9: {  	v26 =	vmul.f32 v26, v11;
	v11 =	vunpack.i.u.bf16.f32 v25;
	v25 =	vunpack.i.l.bf16.f32 v25;
	v39 =	vld [tilespmem:s0+$0xFFFFFFE0]  }
0xfa: {  	v35 =	vmul.f32 v35, v17;
	v17 =	vunpack.i.u.bf16.f32 v21;
	v21 =	vunpack.i.l.bf16.f32 v21;
	v40 =	vld [tilespmem:s14+$0xFFFFFFE0]  }
0xfb: {  	v32 =	vmul.f32 v32, v12;
	v41 =	vld [tilespmem:s7+$0x0];
	v42 =	vunpack.i.u.bf16.f32 v34;
	v34 =	vunpack.i.l.bf16.f32 v34  }
0xfc: {  	v37 =	vmul.f32 v37, v18;
	v43 =	vld [tilespmem:s7+$0x10];
	v44 =	vunpack.i.u.bf16.f32 v36;
	v36 =	vunpack.i.l.bf16.f32 v36  }
0xfd: {  	v25 =	vmul.f32 v25, v12;
	v45 =	vld [tilespmem:s7+$0x20];
	v12 =	vunpack.i.u.bf16.f32 v38;
	v38 =	vunpack.i.l.bf16.f32 v38  }
0xfe: {  	v47 =	vmul.f32 v11, v18;
	v46 =	vld [tilespmem:s7+$0x30];
	v11 =	vunpack.i.u.bf16.f32 v39;
	v18 =	vunpack.i.l.bf16.f32 v39  }
0xff: {  	v48 =	vmul.f32 v21, v13;
	v39 =	vld [tilespmem:s7+$0x40];
	v21 =	vunpack.i.u.bf16.f32 v40;
	v40 =	vunpack.i.l.bf16.f32 v40  }
0x100: {  	v50 =	vmul.f32 v17, v20;
	v34 =	vmul.f32 v34, v13;
	v49 =	vadd.s32 $0x2710, v41;
	v51 =	vld [tilespmem:s7+$0x50]  }
0x101: {  	v42 =	vmul.f32 v42, v20;
	v36 =	vmul.f32 v36, v14;
	v52 =	vadd.s32 $0x2710, v43;
	v53 =	vld [tilespmem:s7+$0x60]  }
0x102: {  	v44 =	vmul.f32 v44, v10;
	v38 =	vmul.f32 v38, v14;
	v54 =	vadd.s32 $0x2710, v45;
	[tilespmem:v1+s26+$0x0] =	vst.idx.add.f32.msk $0xffff, v8  }
0x103: {  	v56 =	vmul.f32 v12, v10;
	v57 =	vmul.f32 v18, v15;
	[tilespmem:v41+s25+$0x0] =	vst.idx.add.f32.msk $0xffff, v16;
	v55 =	vadd.s32 $0x2710, v46  }
0x104: {  	v58 =	vmul.f32 v11, v30;
	v40 =	vmul.f32 v40, v15;
	[tilespmem:v43+s25+$0x0] =	vst.idx.add.f32.msk $0xffff, v29;
	v29 =	vadd.s32 $0x2710, v39  }
0x105: {  	v20 =	vadd.s32 $0x4E20, v41;
	v30 =	vmul.f32 v21, v30;
	[tilespmem:v49+s25+$0x0] =	vst.idx.add.f32.msk $0xffff, v22;
	v22 =	vadd.s32 $0x2710, v51  }
0x106: {  	v21 =	vadd.s32 $0x7530, v41;
	v18 =	vadd.s32 $0x4E20, v43;
	[tilespmem:v41+s26+$0x0] =	vst.idx.add.f32.msk $0xffff, v19;
	v41 =	vadd.s32 $0x2710, v53  }
0x107: {  	v17 =	vadd.s32 $0x4E20, v45;
	v8 =	vadd.s32 $0x7530, v45;
	v19 =	vadd.s32 $0x7530, v43;
	[tilespmem:v49+s26+$0x0] =	vst.idx.add.f32.msk $0xffff, v27  }
0x108: {  	v16 =	vadd.s32 $0x4E20, v46;
	v15 =	vadd.s32 $0x7530, v46;
	v13 =	vadd.s32 $0x4E20, v39;
	[tilespmem:v52+s25+$0x0] =	vst.idx.add.f32.msk $0xffff, v28  }
0x109: {  	v14 =	vadd.s32 $0x7530, v39;
	v12 =	vadd.s32 $0x4E20, v51;
	v11 =	vadd.s32 $0x7530, v51;
	[tilespmem:v43+s26+$0x0] =	vst.idx.add.f32.msk $0xffff, v24  }
0x10a: {  	v10 =	vadd.s32 $0x4E20, v53;
	v1 =	vadd.s32 $0x7530, v53;
	[tilespmem:v52+s26+$0x0] =	vst.idx.add.f32.msk $0xffff, v23  }
0x10b: {  	[tilespmem:v45+s25+$0x0] =	vst.idx.add.f32.msk $0xffff, v31  }
0x10c: {  	[tilespmem:v54+s25+$0x0] =	vst.idx.add.f32.msk $0xffff, v33  }
0x10d: {  	[tilespmem:v45+s26+$0x0] =	vst.idx.add.f32.msk $0xffff, v26  }
0x10e: {  	[tilespmem:v54+s26+$0x0] =	vst.idx.add.f32.msk $0xffff, v35  }
0x10f: {  	[tilespmem:v46+s25+$0x0] =	vst.idx.add.f32.msk $0xffff, v32  }
0x110: {  	[tilespmem:v55+s25+$0x0] =	vst.idx.add.f32.msk $0xffff, v37  }
0x111: {  	[tilespmem:v46+s26+$0x0] =	vst.idx.add.f32.msk $0xffff, v25  }
0x112: {  	[tilespmem:v55+s26+$0x0] =	vst.idx.add.f32.msk $0xffff, v47  }
0x113: {  	[tilespmem:v39+s25+$0x0] =	vst.idx.add.f32.msk $0xffff, v48  }
0x114: {  	[tilespmem:v29+s25+$0x0] =	vst.idx.add.f32.msk $0xffff, v50  }
0x115: {  	[tilespmem:v39+s26+$0x0] =	vst.idx.add.f32.msk $0xffff, v34  }
0x116: {  	[tilespmem:v29+s26+$0x0] =	vst.idx.add.f32.msk $0xffff, v42  }
0x117: {  	[tilespmem:v51+s25+$0x0] =	vst.idx.add.f32.msk $0xffff, v36  }
0x118: {  	[tilespmem:v22+s25+$0x0] =	vst.idx.add.f32.msk $0xffff, v44  }
0x119: {  	[tilespmem:v51+s26+$0x0] =	vst.idx.add.f32.msk $0xffff, v38  }
0x11a: {  	[tilespmem:v22+s26+$0x0] =	vst.idx.add.f32.msk $0xffff, v56  }
0x11b: {  	[tilespmem:v53+s25+$0x0] =	vst.idx.add.f32.msk $0xffff, v57  }
0x11c: {  	[tilespmem:v41+s25+$0x0] =	vst.idx.add.f32.msk $0xffff, v58  }
0x11d: {  	[tilespmem:v53+s26+$0x0] =	vst.idx.add.f32.msk $0xffff, v40  }
0x11e: {  	[tilespmem:v41+s26+$0x0] =	vst.idx.add.f32.msk $0xffff, v30  }
0x11f: {  	v9 =	vld.idx.msk [tilespmem:v9+s3+$0x0], $0xffff  }
0x120: {  	v2 =	vld.idx.msk [tilespmem:v2+s3+$0x0], $0xffff  }
0x121: {  	v3 =	vld.idx.msk [tilespmem:v3+s3+$0x0], $0xffff  }
0x122: {  	v4 =	vld.idx.msk [tilespmem:v4+s3+$0x0], $0xffff  }
0x123: {  	v5 =	vld.idx.msk [tilespmem:v5+s3+$0x0], $0xffff  }
0x124: {  	v7 =	vld.idx.msk [tilespmem:v7+s3+$0x0], $0xffff  }
0x125: {  	v22 =	vunpack.i.u.bf16.f32 v9;
	v9 =	vunpack.i.l.bf16.f32 v9;
	v6 =	vld.idx.msk [tilespmem:v6+s3+$0x0], $0xffff  }
0x126: {  	v24 =	vunpack.i.u.bf16.f32 v2;
	v2 =	vunpack.i.l.bf16.f32 v2;
	v23 =	vld [tilespmem:s0+$0x0]  }
0x127: {  	v26 =	vunpack.i.u.bf16.f32 v3;
	v3 =	vunpack.i.l.bf16.f32 v3;
	v25 =	vld [tilespmem:s14+$0x0]  }
0x128: {  	v28 =	vunpack.i.u.bf16.f32 v4;
	v4 =	vunpack.i.l.bf16.f32 v4;
	v27 =	vld [tilespmem:s0+$0x10]  }
0x129: {  	v30 =	vunpack.i.u.bf16.f32 v5;
	v5 =	vunpack.i.l.bf16.f32 v5;
	v29 =	vld [tilespmem:s14+$0x10]  }
0x12a: {  	v32 =	vunpack.i.u.bf16.f32 v7;
	v7 =	vunpack.i.l.bf16.f32 v7;
	v31 =	vld [tilespmem:s0+$0x20]  }
0x12b: {  	v35 =	vunpack.i.u.bf16.f32 v6;
	v6 =	vunpack.i.l.bf16.f32 v6;
	v33 =	vunpack.i.u.bf16.f32 v23;
	v34 =	vld [tilespmem:s14+$0x20]  }
0x12c: {  	v23 =	vunpack.i.l.bf16.f32 v23;
	v36 =	vunpack.i.u.bf16.f32 v25;
	v25 =	vunpack.i.l.bf16.f32 v25;
	v37 =	vld [tilespmem:s0+$0x30]  }
0x12d: {  	v23 =	vmul.f32 v23, v9;
	v38 =	vunpack.i.u.bf16.f32 v27;
	v27 =	vunpack.i.l.bf16.f32 v27;
	v39 =	vld [tilespmem:s14+$0x30]  }
0x12e: {  	v33 =	vmul.f32 v33, v22;
	v40 =	vunpack.i.u.bf16.f32 v29;
	v29 =	vunpack.i.l.bf16.f32 v29;
	v41 =	vld [tilespmem:s0+$0x40]  }
0x12f: {  	v9 =	vmul.f32 v25, v9;
	v25 =	vunpack.i.u.bf16.f32 v31;
	v31 =	vunpack.i.l.bf16.f32 v31;
	v42 =	vld [tilespmem:s14+$0x40]  }
0x130: {  	v22 =	vmul.f32 v36, v22;
	v36 =	vunpack.i.u.bf16.f32 v34;
	v34 =	vunpack.i.l.bf16.f32 v34;
	v43 =	vld [tilespmem:s0+$0x50]  }
0x131: {  	v27 =	vmul.f32 v27, v2;
	v44 =	vunpack.i.u.bf16.f32 v37;
	v37 =	vunpack.i.l.bf16.f32 v37;
	v45 =	vld [tilespmem:s14+$0x50]  }
0x132: {  	v38 =	vmul.f32 v38, v24;
	v46 =	vunpack.i.u.bf16.f32 v39;
	v39 =	vunpack.i.l.bf16.f32 v39;
	v47 =	vld [tilespmem:s0+$0x60]  }
0x133: {  	v2 =	vmul.f32 v29, v2;
	v29 =	vunpack.i.u.bf16.f32 v41;
	v41 =	vunpack.i.l.bf16.f32 v41;
	v48 =	vld [tilespmem:s14+$0x60]  }
0x134: {  	[tilespmem:v20+s25+$0x0] =	vst.idx.add.f32.msk $0xffff, v23;
	v23 =	vmul.f32 v40, v24;
	v24 =	vunpack.i.u.bf16.f32 v42;
	v40 =	vunpack.i.l.bf16.f32 v42  }
0x135: {  	v31 =	vmul.f32 v31, v3;
	[tilespmem:v21+s25+$0x0] =	vst.idx.add.f32.msk $0xffff, v33;
	v33 =	vunpack.i.u.bf16.f32 v43;
	v42 =	vunpack.i.l.bf16.f32 v43  }
0x136: {  	[tilespmem:v20+s26+$0x0] =	vst.idx.add.f32.msk $0xffff, v9;
	v9 =	vmul.f32 v25, v26;
	v20 =	vunpack.i.u.bf16.f32 v45;
	v25 =	vunpack.i.l.bf16.f32 v45  }
0x137: {  	v3 =	vmul.f32 v34, v3;
	[tilespmem:v21+s26+$0x0] =	vst.idx.add.f32.msk $0xffff, v22;
	v21 =	vunpack.i.u.bf16.f32 v47;
	v22 =	vunpack.i.l.bf16.f32 v47  }
0x138: {  	v26 =	vmul.f32 v36, v26;
	[tilespmem:v18+s25+$0x0] =	vst.idx.add.f32.msk $0xffff, v27;
	v27 =	vunpack.i.u.bf16.f32 v48;
	v34 =	vunpack.i.l.bf16.f32 v48  }
0x139: {  	v36 =	vmul.f32 v37, v4;
	v37 =	vmul.f32 v44, v28;
	[tilespmem:v19+s25+$0x0] =	vst.idx.add.f32.msk $0xffff, v38  }
0x13a: {  	[tilespmem:v18+s26+$0x0] =	vst.idx.add.f32.msk $0xffff, v2;
	v2 =	vmul.f32 v39, v4;
	v4 =	vmul.f32 v46, v28  }
0x13b: {  	v18 =	vmul.f32 v41, v5;
	[tilespmem:v19+s26+$0x0] =	vst.idx.add.f32.msk $0xffff, v23;
	v19 =	vmul.f32 v29, v30  }
0x13c: {  	v5 =	vmul.f32 v40, v5;
	v23 =	vmul.f32 v24, v30;
	[tilespmem:v17+s25+$0x0] =	vst.idx.add.f32.msk $0xffff, v31  }
0x13d: {  	v24 =	vmul.f32 v33, v32;
	[tilespmem:v8+s25+$0x0] =	vst.idx.add.f32.msk $0xffff, v9;
	v9 =	vmul.f32 v42, v7  }
0x13e: {  	[tilespmem:v17+s26+$0x0] =	vst.idx.add.f32.msk $0xffff, v3;
	v3 =	vmul.f32 v25, v7;
	v7 =	vmul.f32 v20, v32  }
0x13f: {  	v17 =	vmul.f32 v22, v6;
	v20 =	vmul.f32 v21, v35;
	[tilespmem:v8+s26+$0x0] =	vst.idx.add.f32.msk $0xffff, v26  }
0x140: {  	v6 =	vmul.f32 v34, v6;
	v8 =	vmul.f32 v27, v35;
	[tilespmem:v16+s25+$0x0] =	vst.idx.add.f32.msk $0xffff, v36  }
0x141: {  	[tilespmem:v15+s25+$0x0] =	vst.idx.add.f32.msk $0xffff, v37  }
0x142: {  	[tilespmem:v16+s26+$0x0] =	vst.idx.add.f32.msk $0xffff, v2  }
0x143: {  	[tilespmem:v15+s26+$0x0] =	vst.idx.add.f32.msk $0xffff, v4  }
0x144: {  	[tilespmem:v13+s25+$0x0] =	vst.idx.add.f32.msk $0xffff, v18  }
0x145: {  	[tilespmem:v14+s25+$0x0] =	vst.idx.add.f32.msk $0xffff, v19  }
0x146: {  	[tilespmem:v13+s26+$0x0] =	vst.idx.add.f32.msk $0xffff, v5  }
0x147: {  	[tilespmem:v14+s26+$0x0] =	vst.idx.add.f32.msk $0xffff, v23  }
0x148: {  	[tilespmem:v12+s25+$0x0] =	vst.idx.add.f32.msk $0xffff, v9  }
0x149: {  	[tilespmem:v11+s25+$0x0] =	vst.idx.add.f32.msk $0xffff, v24  }
.Ltmp2:
0x14a: {  	[tilespmem:v12+s26+$0x0] =	vst.idx.add.f32.msk $0xffff, v3;
	(pc) =	sbr.rel @p0 .LBB2_7-.Ltmp2, $4  }
0x14b: {  	[tilespmem:v11+s26+$0x0] =	vst.idx.add.f32.msk $0xffff, v7  }
0x14c: {  	[tilespmem:v10+s25+$0x0] =	vst.idx.add.f32.msk $0xffff, v17  }
0x14d: {  	[tilespmem:v1+s25+$0x0] =	vst.idx.add.f32.msk $0xffff, v20  }
0x14e: {  	s7 =	sadd.s32 $0x100, s7;
	[tilespmem:v10+s26+$0x0] =	vst.idx.add.f32.msk $0xffff, v6  }
0x14f: {  	_ =	sdelay $0x3  }
0x150: {  	[tilespmem:v1+s26+$0x0] =	vst.idx.add.f32.msk $0xffff, v8  }
0x151: {  	_ =	swait.ge [sflag:s28], $0xA00  }
0x152: {  	[sflag:s28] =	ssyncset.done $0x0  }
0x153: {  	p0 =	seq.s32 s1, $0x7C;
	[sflag:s28] =	ssyncadd.s32 $0xFFFFF600  }
0x154: {  	s0 =	sadd.s32 @!p0 $0x2, s17;
	_ =	swait.ge [sflag:s29], $0xA00  }
0x155: {  	s7 =	smul.u32 @!p0 $0x140, s0;
	[sflag:s29] =	ssyncset.done $0x0  }
0x156: {  	s0 =	smul.u32 @!p0 $0x2800, s0;
	[sflag:s29] =	ssyncadd.s32 $0xFFFFF600  }
0x157: {  	s14 =	simm.s32 @!p0 $0x0;
	s17 =	simm.s32 @!p0 $0x18780;
	_ =	swait.ge [sflag:s30], $0xA00  }
0x158: {  	s18 =	simm.s32 @!p0 $0x19B80;
	s0 =	sadd.s32 @!p0 s6, s0;
	[sflag:s30] =	ssyncset.done $0x0  }
0x159: {  	s7 =	sadd.s32 @!p0 s2, s7;
	s0 =	sshrl.u32 @!p0 s0, $0x3;
	[sflag:s30] =	ssyncadd.s32 $0xFFFFF600  }
0x15a: {  	[tilespmem:s17], [sflag:$0x1] =	stream.linear.gather @!p0 [hbm4b:s7+s14], $0xA00, $0x38;
	[tilespmem:$0x1C380] =	vst v63  }
0x15b: {  	s7 =	sadd.s32 @!p0 s4, s0;
	s14 =	simm.s32 @!p0 $0x100;
	s17 =	simm.s32 @!p0 $0x400  }
0x15c: {  	[tilespmem:s18], [sflag:$0x3] =	stream.strided.gather @!p0 [hbm4b:s7+s14], $0xA00, s17, s14, $0x38;
	[tilespmem:$0x1C380] =	vst v63  }
0x15d: {  	s0 =	sadd.s32 @!p0 s5, s0;
	s7 =	simm.s32 @!p0 $0x1AF80;
	s18 =	simm.s32 $0x19270  }
0x15e: {  	[tilespmem:s7], [sflag:$0x5] =	stream.strided.gather @!p0 [hbm4b:s0+s14], $0xA00, s17, s14, $0x38;
	[tilespmem:$0x1C380] =	vst v63  }
0x15f: {  	v1 =	vld [tilespmem:s18+$0xFFFFFF80]  }
0x160: {  	v10 =	vld [tilespmem:s18+$0xFFFFFF20]  }
0x161: {  	v9 =	vld [tilespmem:s18+$0xFFFFFF30]  }
0x162: {  	v7 =	vld [tilespmem:s18+$0xFFFFFF40]  }
0x163: {  	v6 =	vld [tilespmem:s18+$0xFFFFFF50]  }
0x164: {  	v5 =	vld [tilespmem:s18+$0xFFFFFF60]  }
0x165: {  	v4 =	vld [tilespmem:s18+$0xFFFFFF70]  }
0x166: {  	s0 =	simm.s32 $0x1A670;
	v2 =	vld [tilespmem:s18+$0x0]  }
0x167: {  	v8 =	vld [tilespmem:s0+$0xFFFFFF80]  }
0x168: {  	s14 =	simm.s32 $0x1BA70;
	v12 =	vld [tilespmem:s18+$0xFFFFFF10]  }
0x169: {  	v11 =	vld [tilespmem:s14+$0xFFFFFF80]  }
0x16a: {  	v22 =	vld [tilespmem:s0+$0xFFFFFF10]  }
0x16b: {  	v23 =	vld [tilespmem:s14+$0xFFFFFF10]  }
0x16c: {  	v24 =	vld [tilespmem:s0+$0xFFFFFF20]  }
0x16d: {  	v25 =	vld [tilespmem:s14+$0xFFFFFF20]  }
0x16e: {  	v63 =	vld [tilespmem:s0+$0xFFFFFF30]  }
0x16f: {  	v27 =	vld [tilespmem:s14+$0xFFFFFF30]  }
0x170: {  	v28 =	vld [tilespmem:s0+$0xFFFFFF40]  }
0x171: {  	v29 =	vld [tilespmem:s14+$0xFFFFFF40]  }
0x172: {  	v30 =	vld [tilespmem:s0+$0xFFFFFF50]  }
0x173: {  	v3 =	vld.idx.msk [tilespmem:v1+s3+$0x0], $0xffff  }
0x174: {  	v31 =	vld [tilespmem:s14+$0xFFFFFF50]  }
0x175: {  	v32 =	vld [tilespmem:s0+$0xFFFFFF60]  }
0x176: {  	v33 =	vld [tilespmem:s14+$0xFFFFFF60]  }
0x177: {  	v34 =	vld [tilespmem:s0+$0xFFFFFF70];
	v13 =	vadd.s32 $0x2710, v2  }
0x178: {  	v35 =	vld [tilespmem:s14+$0xFFFFFF70];
	v15 =	vunpack.i.l.bf16.f32 v8;
	v14 =	vunpack.i.l.bf16.f32 v3  }
0x179: {  	v8 =	vunpack.i.u.bf16.f32 v8;
	v17 =	vld.idx.msk [tilespmem:v10+s3+$0x0], $0xffff;
	v3 =	vunpack.i.u.bf16.f32 v3;
	v16 =	vmul.f32 v15, v14  }
0x17a: {  	v21 =	vunpack.i.l.bf16.f32 v11;
	v18 =	vld.idx.msk [tilespmem:v9+s3+$0x0], $0xffff;
	v1 =	vadd.s32 $0x2710, v1;
	v8 =	vmul.f32 v8, v3  }
0x17b: {  	v11 =	vunpack.i.u.bf16.f32 v11;
	v14 =	vmul.f32 v21, v14;
	[tilespmem:v2+s25+$0x0] =	vst.idx.add.f32.msk $0xffff, v16  }
0x17c: {  	v3 =	vmul.f32 v11, v3;
	[tilespmem:v13+s25+$0x0] =	vst.idx.add.f32.msk $0xffff, v8  }
0x17d: {  	[tilespmem:v2+s26+$0x0] =	vst.idx.add.f32.msk $0xffff, v14  }
0x17e: {  	[tilespmem:v13+s26+$0x0] =	vst.idx.add.f32.msk $0xffff, v3  }
0x17f: {  	v1 =	vld.idx.msk [tilespmem:v1+s3+$0x0], $0xffff  }
0x180: {  	v3 =	vld [tilespmem:s0+$0x0]  }
0x181: {  	v8 =	vld [tilespmem:s14+$0x0]  }
0x182: {  	v19 =	vld.idx.msk [tilespmem:v7+s3+$0x0], $0xffff  }
0x183: {  	v20 =	vld.idx.msk [tilespmem:v6+s3+$0x0], $0xffff;
	v11 =	vadd.s32 $0x4E20, v2  }
0x184: {  	v60 =	vld.idx.msk [tilespmem:v12+s3+$0x0], $0xffff;
	v2 =	vadd.s32 $0x7530, v2;
	v61 =	vunpack.i.l.bf16.f32 v1  }
0x185: {  	v15 =	vld.idx.msk [tilespmem:v5+s3+$0x0], $0xffff;
	v62 =	vunpack.i.l.bf16.f32 v3;
	v1 =	vunpack.i.u.bf16.f32 v1;
	v3 =	vunpack.i.u.bf16.f32 v3  }
0x186: {  	v16 =	vld.idx.msk [tilespmem:v4+s3+$0x0], $0xffff;
	v26 =	vunpack.i.l.bf16.f32 v8;
	v8 =	vunpack.i.u.bf16.f32 v8;
	v14 =	vmul.f32 v62, v61  }
0x187: {  	v3 =	vmul.f32 v3, v1;
	v1 =	vmul.f32 v8, v1;
	v8 =	vld [tilespmem:s18+$0xFFFFFFC0]  }
0x188: {  	[tilespmem:v11+s25+$0x0] =	vst.idx.add.f32.msk $0xffff, v14  }
0x189: {  	v14 =	vld [tilespmem:s18+$0xFFFFFF90]  }
0x18a: {  	v13 =	vmul.f32 v26, v61;
	[tilespmem:v2+s25+$0x0] =	vst.idx.add.f32.msk $0xffff, v3  }
0x18b: {  	v3 =	vld [tilespmem:s18+$0xFFFFFFD0]  }
0x18c: {  	v39 =	vunpack.i.l.bf16.f32 v24;
	v24 =	vunpack.i.u.bf16.f32 v24;
	[tilespmem:v11+s26+$0x0] =	vst.idx.add.f32.msk $0xffff, v13  }
0x18d: {  	v49 =	vunpack.i.l.bf16.f32 v63;
	v50 =	vunpack.i.u.bf16.f32 v63;
	v55 =	vunpack.i.l.bf16.f32 v28;
	v13 =	vld [tilespmem:s18+$0xFFFFFFA0]  }
0x18e: {  	v57 =	vunpack.i.u.bf16.f32 v28;
	v59 =	vunpack.i.l.bf16.f32 v29;
	v63 =	vunpack.i.l.bf16.f32 v30;
	v11 =	vld [tilespmem:s18+$0xFFFFFFB0]  }
0x18f: {  	v36 =	vunpack.i.l.bf16.f32 v60;
	v54 =	vunpack.i.l.bf16.f32 v19;
	[tilespmem:v2+s26+$0x0] =	vst.idx.add.f32.msk $0xffff, v1;
	v53 =	vadd.s32 $0x2710, v8  }
0x190: {  	v38 =	vunpack.i.l.bf16.f32 v17;
	v58 =	vmul.f32 v55, v54;
	v1 =	vunpack.i.l.bf16.f32 v22;
	v2 =	vld [tilespmem:s18+$0xFFFFFFE0]  }
0x191: {  	v56 =	vunpack.i.u.bf16.f32 v19;
	v21 =	vunpack.i.u.bf16.f32 v60;
	v40 =	vmul.f32 v1, v36;
	v1 =	vld [tilespmem:s18+$0xFFFFFFF0]  }
0x192: {  	v19 =	vmul.f32 v57, v56;
	v62 =	vunpack.i.l.bf16.f32 v20;
	v37 =	vadd.s32 $0x2710, v14;
	[tilespmem:v8+s25+$0x0] =	vst.idx.add.f32.msk $0xffff, v58  }
0x193: {  	v60 =	vunpack.i.u.bf16.f32 v29;
	v29 =	vunpack.i.u.bf16.f32 v30;
	v30 =	vmul.f32 v63, v62;
	[tilespmem:v14+s25+$0x0] =	vst.idx.add.f32.msk $0xffff, v40  }
0x194: {  	v17 =	vunpack.i.u.bf16.f32 v17;
	v39 =	vmul.f32 v39, v38;
	v22 =	vunpack.i.u.bf16.f32 v22;
	[tilespmem:v53+s25+$0x0] =	vst.idx.add.f32.msk $0xffff, v19  }
0x195: {  	v48 =	vunpack.i.l.bf16.f32 v18;
	v22 =	vmul.f32 v22, v21;
	v61 =	vadd.s32 $0x2710, v3;
	[tilespmem:v3+s25+$0x0] =	vst.idx.add.f32.msk $0xffff, v30  }
0x196: {  	v41 =	vunpack.i.l.bf16.f32 v23;
	v45 =	vmul.f32 v24, v17;
	v24 =	vmul.f32 v49, v48;
	[tilespmem:v13+s25+$0x0] =	vst.idx.add.f32.msk $0xffff, v39  }
0x197: {  	v28 =	vunpack.i.u.bf16.f32 v20;
	v36 =	vmul.f32 v41, v36;
	v42 =	vadd.s32 $0x2710, v13;
	[tilespmem:v37+s25+$0x0] =	vst.idx.add.f32.msk $0xffff, v22  }
0x198: {  	v23 =	vunpack.i.u.bf16.f32 v23;
	v47 =	vadd.s32 $0x2710, v11;
	v19 =	vmul.f32 v29, v28;
	[tilespmem:v11+s25+$0x0] =	vst.idx.add.f32.msk $0xffff, v24  }
0x199: {  	v21 =	vmul.f32 v23, v21;
	[tilespmem:v14+s26+$0x0] =	vst.idx.add.f32.msk $0xffff, v36  }
0x19a: {  	v12 =	vadd.s32 $0x2710, v12;
	v18 =	vunpack.i.u.bf16.f32 v18;
	[tilespmem:v61+s25+$0x0] =	vst.idx.add.f32.msk $0xffff, v19  }
0x19b: {  	v44 =	vunpack.i.l.bf16.f32 v25;
	v23 =	vmul.f32 v50, v18;
	[tilespmem:v37+s26+$0x0] =	vst.idx.add.f32.msk $0xffff, v21  }
0x19c: {  	v22 =	vmul.f32 v44, v38;
	[tilespmem:v42+s25+$0x0] =	vst.idx.add.f32.msk $0xffff, v45  }
0x19d: {  	v46 =	vunpack.i.u.bf16.f32 v25;
	[tilespmem:v47+s25+$0x0] =	vst.idx.add.f32.msk $0xffff, v23  }
0x19e: {  	v51 =	vunpack.i.l.bf16.f32 v27;
	v10 =	vadd.s32 $0x2710, v10;
	v17 =	vmul.f32 v46, v17;
	[tilespmem:v13+s26+$0x0] =	vst.idx.add.f32.msk $0xffff, v22  }
0x19f: {  	v21 =	vmul.f32 v51, v48;
	v12 =	vld.idx.msk [tilespmem:v12+s3+$0x0], $0xffff  }
0x1a0: {  	[tilespmem:v42+s26+$0x0] =	vst.idx.add.f32.msk $0xffff, v17  }
0x1a1: {  	v52 =	vunpack.i.u.bf16.f32 v27;
	[tilespmem:v11+s26+$0x0] =	vst.idx.add.f32.msk $0xffff, v21  }
0x1a2: {  	v17 =	vmul.f32 v52, v18;
	v52 =	vld [tilespmem:s0+$0xFFFFFF90]  }
0x1a3: {  	v10 =	vld.idx.msk [tilespmem:v10+s3+$0x0], $0xffff  }
0x1a4: {  	v38 =	vadd.s32 $0x2710, v2;
	v21 =	vmul.f32 v59, v54;
	v54 =	vld [tilespmem:s0+$0xFFFFFFA0]  }
0x1a5: {  	v9 =	vadd.s32 $0x2710, v9;
	v40 =	vunpack.i.l.bf16.f32 v32;
	v39 =	vunpack.i.l.bf16.f32 v15;
	v55 =	vld [tilespmem:s14+$0xFFFFFFA0]  }
0x1a6: {  	v41 =	vunpack.i.u.bf16.f32 v32;
	v15 =	vunpack.i.u.bf16.f32 v15;
	v42 =	vmul.f32 v40, v39;
	[tilespmem:v47+s26+$0x0] =	vst.idx.add.f32.msk $0xffff, v17  }
0x1a7: {  	v18 =	vmul.f32 v41, v15;
	[tilespmem:v8+s26+$0x0] =	vst.idx.add.f32.msk $0xffff, v21  }
0x1a8: {  	[tilespmem:v2+s25+$0x0] =	vst.idx.add.f32.msk $0xffff, v42  }
0x1a9: {  	[tilespmem:v38+s25+$0x0] =	vst.idx.add.f32.msk $0xffff, v18  }
0x1aa: {  	v9 =	vld.idx.msk [tilespmem:v9+s3+$0x0], $0xffff  }
0x1ab: {  	v36 =	vunpack.i.l.bf16.f32 v31;
	v17 =	vmul.f32 v60, v56;
	v56 =	vld [tilespmem:s0+$0xFFFFFFB0]  }
0x1ac: {  	v43 =	vunpack.i.l.bf16.f32 v33;
	v21 =	vmul.f32 v36, v62;
	v57 =	vld [tilespmem:s14+$0xFFFFFFB0]  }
0x1ad: {  	v20 =	vmul.f32 v43, v39;
	[tilespmem:v53+s26+$0x0] =	vst.idx.add.f32.msk $0xffff, v17  }
0x1ae: {  	v7 =	vadd.s32 $0x2710, v7;
	v44 =	vunpack.i.u.bf16.f32 v33;
	[tilespmem:v3+s26+$0x0] =	vst.idx.add.f32.msk $0xffff, v21  }
0x1af: {  	v46 =	vunpack.i.l.bf16.f32 v16;
	v15 =	vmul.f32 v44, v15;
	v47 =	vunpack.i.l.bf16.f32 v34;
	[tilespmem:v2+s26+$0x0] =	vst.idx.add.f32.msk $0xffff, v20  }
0x1b0: {  	v49 =	vmul.f32 v47, v46;
	v53 =	vld [tilespmem:s14+$0xFFFFFF90]  }
0x1b1: {  	[tilespmem:v38+s26+$0x0] =	vst.idx.add.f32.msk $0xffff, v15  }
0x1b2: {  	v5 =	vadd.s32 $0x2710, v5;
	[tilespmem:v1+s25+$0x0] =	vst.idx.add.f32.msk $0xffff, v49  }
0x1b3: {  	v37 =	vunpack.i.u.bf16.f32 v31;
	v7 =	vld.idx.msk [tilespmem:v7+s3+$0x0], $0xffff  }
0x1b4: {  	v17 =	vmul.f32 v37, v28;
	v58 =	vld [tilespmem:s0+$0xFFFFFFC0]  }
0x1b5: {  	v6 =	vadd.s32 $0x2710, v6;
	v59 =	vld [tilespmem:s14+$0xFFFFFFC0]  }
0x1b6: {  	[tilespmem:v61+s26+$0x0] =	vst.idx.add.f32.msk $0xffff, v17  }
0x1b7: {  	v5 =	vld.idx.msk [tilespmem:v5+s3+$0x0], $0xffff  }
0x1b8: {  	v45 =	vadd.s32 $0x2710, v1;
	v26 =	vld [tilespmem:s0+$0xFFFFFFE0]  }
0x1b9: {  	v4 =	vadd.s32 $0x2710, v4;
	v29 =	vld [tilespmem:s14+$0xFFFFFFE0]  }
0x1ba: {  	v16 =	vunpack.i.u.bf16.f32 v16;
	v48 =	vunpack.i.u.bf16.f32 v34;
	v60 =	vadd.s32 $0x4E20, v14;
	v6 =	vld.idx.msk [tilespmem:v6+s3+$0x0], $0xffff  }
0x1bb: {  	v50 =	vunpack.i.l.bf16.f32 v35;
	v63 =	vadd.s32 $0x4E20, v13;
	v17 =	vmul.f32 v48, v16;
	v23 =	vld [tilespmem:s0+$0xFFFFFFD0]  }
0x1bc: {  	v19 =	vmul.f32 v50, v46;
	v62 =	vunpack.i.l.bf16.f32 v52;
	v61 =	vunpack.i.l.bf16.f32 v12;
	v25 =	vld [tilespmem:s14+$0xFFFFFFD0]  }
0x1bd: {  	v38 =	vunpack.i.l.bf16.f32 v10;
	v39 =	vunpack.i.l.bf16.f32 v54;
	v28 =	vmul.f32 v62, v61;
	[tilespmem:v45+s25+$0x0] =	vst.idx.add.f32.msk $0xffff, v17  }
0x1be: {  	v51 =	vunpack.i.u.bf16.f32 v35;
	v41 =	vmul.f32 v39, v38;
	[tilespmem:v1+s26+$0x0] =	vst.idx.add.f32.msk $0xffff, v19  }
0x1bf: {  	v15 =	vmul.f32 v51, v16;
	[tilespmem:v60+s25+$0x0] =	vst.idx.add.f32.msk $0xffff, v28  }
0x1c0: {  	v50 =	vadd.s32 $0x4E20, v8;
	v13 =	vadd.s32 $0x7530, v13;
	v42 =	vadd.s32 $0x4E20, v11;
	[tilespmem:v63+s25+$0x0] =	vst.idx.add.f32.msk $0xffff, v41  }
0x1c1: {  	v14 =	vadd.s32 $0x7530, v14;
	v12 =	vunpack.i.u.bf16.f32 v12;
	v40 =	vunpack.i.u.bf16.f32 v54;
	[tilespmem:v45+s26+$0x0] =	vst.idx.add.f32.msk $0xffff, v15  }
0x1c2: {  	v46 =	vunpack.i.l.bf16.f32 v9;
	v47 =	vunpack.i.l.bf16.f32 v56;
	v36 =	vunpack.i.l.bf16.f32 v53;
	v4 =	vld.idx.msk [tilespmem:v4+s3+$0x0], $0xffff  }
0x1c3: {  	v16 =	vunpack.i.u.bf16.f32 v53;
	v49 =	vmul.f32 v47, v46;
	v15 =	vunpack.i.u.bf16.f32 v52;
	v30 =	vld [tilespmem:s0+$0xFFFFFFF0]  }
0x1c4: {  	v53 =	vunpack.i.l.bf16.f32 v7;
	v54 =	vunpack.i.l.bf16.f32 v58;
	v15 =	vmul.f32 v15, v12;
	v37 =	vld [tilespmem:s14+$0xFFFFFFF0]  }
0x1c5: {  	v43 =	vunpack.i.l.bf16.f32 v55;
	v44 =	vunpack.i.u.bf16.f32 v55;
	[tilespmem:v42+s25+$0x0] =	vst.idx.add.f32.msk $0xffff, v49;
	v55 =	vmul.f32 v54, v53  }
0x1c6: {  	v27 =	vmul.f32 v36, v61;
	[tilespmem:v14+s25+$0x0] =	vst.idx.add.f32.msk $0xffff, v15  }
0x1c7: {  	v10 =	vunpack.i.u.bf16.f32 v10;
	v12 =	vmul.f32 v16, v12;
	[tilespmem:v50+s25+$0x0] =	vst.idx.add.f32.msk $0xffff, v55  }
0x1c8: {  	v11 =	vadd.s32 $0x7530, v11;
	v15 =	vmul.f32 v40, v10;
	[tilespmem:v60+s26+$0x0] =	vst.idx.add.f32.msk $0xffff, v27  }
0x1c9: {  	v45 =	vmul.f32 v43, v38;
	[tilespmem:v14+s26+$0x0] =	vst.idx.add.f32.msk $0xffff, v12  }
0x1ca: {  	v9 =	vunpack.i.u.bf16.f32 v9;
	v48 =	vunpack.i.u.bf16.f32 v56;
	v10 =	vmul.f32 v44, v10;
	[tilespmem:v13+s25+$0x0] =	vst.idx.add.f32.msk $0xffff, v15  }
0x1cb: {  	v8 =	vadd.s32 $0x7530, v8;
	v51 =	vunpack.i.l.bf16.f32 v57;
	v12 =	vmul.f32 v48, v9;
	[tilespmem:v63+s26+$0x0] =	vst.idx.add.f32.msk $0xffff, v45  }
0x1cc: {  	v52 =	vmul.f32 v51, v46;
	[tilespmem:v13+s26+$0x0] =	vst.idx.add.f32.msk $0xffff, v10;
	v10 =	vunpack.i.u.bf16.f32 v57  }
0x1cd: {  	v7 =	vunpack.i.u.bf16.f32 v7;
	[tilespmem:v11+s25+$0x0] =	vst.idx.add.f32.msk $0xffff, v12;
	v9 =	vmul.f32 v10, v9;
	v10 =	vunpack.i.u.bf16.f32 v58  }
0x1ce: {  	v56 =	vadd.s32 $0x4E20, v3;
	v57 =	vunpack.i.l.bf16.f32 v59;
	[tilespmem:v42+s26+$0x0] =	vst.idx.add.f32.msk $0xffff, v52;
	v10 =	vmul.f32 v10, v7  }
0x1cf: {  	v3 =	vadd.s32 $0x7530, v3;
	[tilespmem:v11+s26+$0x0] =	vst.idx.add.f32.msk $0xffff, v9;
	v9 =	vunpack.i.u.bf16.f32 v59;
	v11 =	vmul.f32 v57, v53  }
0x1d0: {  	v58 =	vunpack.i.l.bf16.f32 v6;
	v59 =	vunpack.i.l.bf16.f32 v23;
	v7 =	vmul.f32 v9, v7;
	[tilespmem:v8+s25+$0x0] =	vst.idx.add.f32.msk $0xffff, v10  }
0x1d1: {  	v6 =	vunpack.i.u.bf16.f32 v6;
	v9 =	vunpack.i.u.bf16.f32 v23;
	v10 =	vmul.f32 v59, v58;
	[tilespmem:v50+s26+$0x0] =	vst.idx.add.f32.msk $0xffff, v11  }
0x1d2: {  	v60 =	vunpack.i.l.bf16.f32 v25;
	v11 =	vadd.s32 $0x4E20, v2;
	v9 =	vmul.f32 v9, v6;
	[tilespmem:v8+s26+$0x0] =	vst.idx.add.f32.msk $0xffff, v7  }
0x1d3: {  	v2 =	vadd.s32 $0x7530, v2;
	v7 =	vunpack.i.u.bf16.f32 v25;
	v8 =	vmul.f32 v60, v58;
	[tilespmem:v56+s25+$0x0] =	vst.idx.add.f32.msk $0xffff, v10  }
0x1d4: {  	v61 =	vunpack.i.l.bf16.f32 v26;
	v10 =	vunpack.i.l.bf16.f32 v5;
	v6 =	vmul.f32 v7, v6;
	[tilespmem:v3+s25+$0x0] =	vst.idx.add.f32.msk $0xffff, v9  }
0x1d5: {  	v5 =	vunpack.i.u.bf16.f32 v5;
	v7 =	vunpack.i.u.bf16.f32 v26;
	v9 =	vmul.f32 v61, v10;
	[tilespmem:v56+s26+$0x0] =	vst.idx.add.f32.msk $0xffff, v8  }
0x1d6: {  	v62 =	vadd.s32 $0x4E20, v1;
	v8 =	vunpack.i.l.bf16.f32 v29;
	v7 =	vmul.f32 v7, v5;
	[tilespmem:v3+s26+$0x0] =	vst.idx.add.f32.msk $0xffff, v6  }
0x1d7: {  	v1 =	vadd.s32 $0x7530, v1;
	v3 =	vunpack.i.u.bf16.f32 v29;
	v6 =	vmul.f32 v8, v10;
	[tilespmem:v11+s25+$0x0] =	vst.idx.add.f32.msk $0xffff, v9  }
0x1d8: {  	v8 =	vunpack.i.l.bf16.f32 v4;
	v9 =	vunpack.i.l.bf16.f32 v30;
	v3 =	vmul.f32 v3, v5;
	[tilespmem:v2+s25+$0x0] =	vst.idx.add.f32.msk $0xffff, v7  }
0x1d9: {  	v63 =	vunpack.i.u.bf16.f32 v30;
	v4 =	vunpack.i.u.bf16.f32 v4;
	v7 =	vmul.f32 v9, v8;
	[tilespmem:v11+s26+$0x0] =	vst.idx.add.f32.msk $0xffff, v6  }
0x1da: {  	v5 =	vmul.f32 v63, v4;
	v6 =	vunpack.i.l.bf16.f32 v37;
	[tilespmem:v2+s26+$0x0] =	vst.idx.add.f32.msk $0xffff, v3  }
0x1db: {  	v2 =	vmul.f32 v6, v8;
	[tilespmem:v62+s25+$0x0] =	vst.idx.add.f32.msk $0xffff, v7  }
0x1dc: {  	v3 =	vunpack.i.u.bf16.f32 v37;
	[tilespmem:v1+s25+$0x0] =	vst.idx.add.f32.msk $0xffff, v5  }
0x1dd: {  	s17 =	simm.s32 $0x0;
	s7 =	simm.s32 $0x19370;
	v8 =	vmul.f32 v3, v4;
	[tilespmem:v62+s26+$0x0] =	vst.idx.add.f32.msk $0xffff, v2  }
.LBB2_9:
0x1de: {  	v9 =	vld [tilespmem:s7+$0xFFFFFF80]  }
0x1df: {  	v10 =	vld [tilespmem:s7+$0xFFFFFF20]  }
0x1e0: {  	v11 =	vld [tilespmem:s7+$0xFFFFFF30]  }
0x1e1: {  	v12 =	vld [tilespmem:s7+$0xFFFFFF40]  }
0x1e2: {  	v13 =	vld [tilespmem:s7+$0xFFFFFF50]  }
0x1e3: {  	v14 =	vld [tilespmem:s7+$0xFFFFFF60]  }
0x1e4: {  	s17 =	sadd.s32 $0x8, s17;
	v2 =	vadd.s32 $0x2710, v10;
	v15 =	vld [tilespmem:s7+$0xFFFFFF70]  }
0x1e5: {  	p0 =	slt.u32 s17, $0x48;
	v3 =	vadd.s32 $0x2710, v11;
	v16 =	vld [tilespmem:s7+$0x0]  }
0x1e6: {  	s0 =	sadd.s32 $0x100, s0;
	v4 =	vadd.s32 $0x2710, v12;
	v17 =	vld.idx.msk [tilespmem:v9+s3+$0x0], $0xffff  }
0x1e7: {  	v5 =	vadd.s32 $0x2710, v13;
	v18 =	vld [tilespmem:s0+$0xFFFFFF80]  }
0x1e8: {  	s14 =	sadd.s32 $0x100, s14;
	v19 =	vld [tilespmem:s7+$0xFFFFFF10];
	v7 =	vadd.s32 $0x2710, v14  }
0x1e9: {  	v6 =	vadd.s32 $0x2710, v15;
	v20 =	vld [tilespmem:s14+$0xFFFFFF80]  }
0x1ea: {  	v10 =	vld.idx.msk [tilespmem:v10+s3+$0x0], $0xffff  }
0x1eb: {  	v21 =	vadd.s32 $0x2710, v16;
	v11 =	vld.idx.msk [tilespmem:v11+s3+$0x0], $0xffff  }
0x1ec: {  	v22 =	vunpack.i.l.bf16.f32 v17;
	v12 =	vld.idx.msk [tilespmem:v12+s3+$0x0], $0xffff;
	v23 =	vunpack.i.l.bf16.f32 v18  }
0x1ed: {  	v17 =	vunpack.i.u.bf16.f32 v17;
	v18 =	vunpack.i.u.bf16.f32 v18;
	v13 =	vld.idx.msk [tilespmem:v13+s3+$0x0], $0xffff;
	v23 =	vmul.f32 v23, v22  }
0x1ee: {  	v25 =	vadd.s32 $0x2710, v9;
	v18 =	vmul.f32 v18, v17;
	v14 =	vld.idx.msk [tilespmem:v14+s3+$0x0], $0xffff;
	v24 =	vunpack.i.l.bf16.f32 v20  }
0x1ef: {  	v9 =	vadd.s32 $0x2710, v19;
	v20 =	vunpack.i.u.bf16.f32 v20;
	[tilespmem:v16+s25+$0x0] =	vst.idx.add.f32.msk $0xffff, v23;
	v22 =	vmul.f32 v24, v22  }
0x1f0: {  	v23 =	vunpack.i.u.bf16.f32 v10;
	v24 =	vunpack.i.l.bf16.f32 v10;
	v10 =	vmul.f32 v20, v17;
	[tilespmem:v21+s25+$0x0] =	vst.idx.add.f32.msk $0xffff, v18  }
0x1f1: {  	v17 =	vunpack.i.u.bf16.f32 v11;
	v11 =	vunpack.i.l.bf16.f32 v11;
	[tilespmem:v16+s26+$0x0] =	vst.idx.add.f32.msk $0xffff, v22  }
0x1f2: {  	v18 =	vunpack.i.u.bf16.f32 v12;
	v12 =	vunpack.i.l.bf16.f32 v12;
	[tilespmem:v21+s26+$0x0] =	vst.idx.add.f32.msk $0xffff, v10  }
0x1f3: {  	v20 =	vunpack.i.u.bf16.f32 v13;
	v13 =	vunpack.i.l.bf16.f32 v13;
	v21 =	vld.idx.msk [tilespmem:v25+s3+$0x0], $0xffff  }
0x1f4: {  	v10 =	vunpack.i.u.bf16.f32 v14;
	v14 =	vunpack.i.l.bf16.f32 v14;
	v22 =	vld [tilespmem:s0+$0x0]  }
0x1f5: {  	v19 =	vld.idx.msk [tilespmem:v19+s3+$0x0], $0xffff  }
0x1f6: {  	v25 =	vld [tilespmem:s14+$0x0]  }
0x1f7: {  	v26 =	vadd.s32 $0x4E20, v16;
	v15 =	vld.idx.msk [tilespmem:v15+s3+$0x0], $0xffff  }
0x1f8: {  	v16 =	vadd.s32 $0x7530, v16;
	v27 =	vld [tilespmem:s0+$0xFFFFFF10]  }
0x1f9: {  	v29 =	vunpack.i.l.bf16.f32 v21;
	v28 =	vld [tilespmem:s14+$0xFFFFFF10];
	v30 =	vunpack.i.l.bf16.f32 v22  }
0x1fa: {  	v21 =	vunpack.i.u.bf16.f32 v21;
	v22 =	vunpack.i.u.bf16.f32 v22;
	v31 =	vld [tilespmem:s0+$0xFFFFFF20];
	v30 =	vmul.f32 v30, v29  }
0x1fb: {  	v32 =	vunpack.i.u.bf16.f32 v19;
	v22 =	vmul.f32 v22, v21;
	v33 =	vld [tilespmem:s14+$0xFFFFFF20];
	v34 =	vunpack.i.l.bf16.f32 v25  }
0x1fc: {  	v19 =	vunpack.i.l.bf16.f32 v19;
	v25 =	vunpack.i.u.bf16.f32 v25;
	[tilespmem:v26+s25+$0x0] =	vst.idx.add.f32.msk $0xffff, v30;
	v29 =	vmul.f32 v34, v29  }
0x1fd: {  	v30 =	vunpack.i.u.bf16.f32 v15;
	v15 =	vunpack.i.l.bf16.f32 v15;
	v21 =	vmul.f32 v25, v21;
	[tilespmem:v16+s25+$0x0] =	vst.idx.add.f32.msk $0xffff, v22  }
0x1fe: {  	v22 =	vunpack.i.u.bf16.f32 v27;
	v25 =	vunpack.i.l.bf16.f32 v27;
	v27 =	vunpack.i.u.bf16.f32 v28;
	[tilespmem:v26+s26+$0x0] =	vst.idx.add.f32.msk $0xffff, v29  }
0x1ff: {  	v26 =	vunpack.i.l.bf16.f32 v28;
	v28 =	vunpack.i.u.bf16.f32 v31;
	v29 =	vunpack.i.l.bf16.f32 v31;
	[tilespmem:v16+s26+$0x0] =	vst.idx.add.f32.msk $0xffff, v21  }
0x200: {  	v16 =	vmul.f32 v25, v19;
	v21 =	vunpack.i.u.bf16.f32 v33;
	v25 =	vunpack.i.l.bf16.f32 v33;
	v31 =	vld [tilespmem:s0+$0xFFFFFF30]  }
0x201: {  	v22 =	vmul.f32 v22, v32;
	v19 =	vmul.f32 v26, v19;
	v26 =	vld [tilespmem:s14+$0xFFFFFF30]  }
0x202: {  	v27 =	vmul.f32 v27, v32;
	v29 =	vmul.f32 v29, v24;
	v32 =	vld [tilespmem:s0+$0xFFFFFF40]  }
0x203: {  	v28 =	vmul.f32 v28, v23;
	v24 =	vmul.f32 v25, v24;
	v25 =	vld [tilespmem:s14+$0xFFFFFF40]  }
0x204: {  	v23 =	vmul.f32 v21, v23;
	v21 =	vld [tilespmem:s0+$0xFFFFFF50]  }
0x205: {  	v33 =	vunpack.i.u.bf16.f32 v31;
	v31 =	vunpack.i.l.bf16.f32 v31;
	v34 =	vld [tilespmem:s14+$0xFFFFFF50]  }
0x206: {  	v35 =	vunpack.i.u.bf16.f32 v26;
	v26 =	vunpack.i.l.bf16.f32 v26;
	v31 =	vmul.f32 v31, v11;
	v36 =	vld [tilespmem:s0+$0xFFFFFF60]  }
0x207: {  	v33 =	vmul.f32 v33, v17;
	v37 =	vunpack.i.u.bf16.f32 v32;
	v32 =	vunpack.i.l.bf16.f32 v32;
	v38 =	vld [tilespmem:s14+$0xFFFFFF60]  }
0x208: {  	v26 =	vmul.f32 v26, v11;
	v11 =	vunpack.i.u.bf16.f32 v25;
	v25 =	vunpack.i.l.bf16.f32 v25;
	v39 =	vld [tilespmem:s0+$0xFFFFFF70]  }
0x209: {  	v35 =	vmul.f32 v35, v17;
	v17 =	vunpack.i.u.bf16.f32 v21;
	v21 =	vunpack.i.l.bf16.f32 v21;
	v40 =	vld [tilespmem:s14+$0xFFFFFF70]  }
0x20a: {  	v32 =	vmul.f32 v32, v12;
	v41 =	vld [tilespmem:s7+$0xFFFFFF90];
	v42 =	vunpack.i.u.bf16.f32 v34;
	v34 =	vunpack.i.l.bf16.f32 v34  }
0x20b: {  	v37 =	vmul.f32 v37, v18;
	v43 =	vld [tilespmem:s7+$0xFFFFFFA0];
	v44 =	vunpack.i.u.bf16.f32 v36;
	v36 =	vunpack.i.l.bf16.f32 v36  }
0x20c: {  	v25 =	vmul.f32 v25, v12;
	v45 =	vld [tilespmem:s7+$0xFFFFFFB0];
	v12 =	vunpack.i.u.bf16.f32 v38;
	v38 =	vunpack.i.l.bf16.f32 v38  }
0x20d: {  	v47 =	vmul.f32 v11, v18;
	v46 =	vld [tilespmem:s7+$0xFFFFFFC0];
	v11 =	vunpack.i.u.bf16.f32 v39;
	v18 =	vunpack.i.l.bf16.f32 v39  }
0x20e: {  	v48 =	vmul.f32 v21, v13;
	v39 =	vld [tilespmem:s7+$0xFFFFFFD0];
	v21 =	vunpack.i.u.bf16.f32 v40;
	v40 =	vunpack.i.l.bf16.f32 v40  }
0x20f: {  	v50 =	vmul.f32 v17, v20;
	v34 =	vmul.f32 v34, v13;
	v49 =	vadd.s32 $0x2710, v41;
	v51 =	vld [tilespmem:s7+$0xFFFFFFE0]  }
0x210: {  	v42 =	vmul.f32 v42, v20;
	v36 =	vmul.f32 v36, v14;
	v52 =	vadd.s32 $0x2710, v43;
	v53 =	vld [tilespmem:s7+$0xFFFFFFF0]  }
0x211: {  	v44 =	vmul.f32 v44, v10;
	v38 =	vmul.f32 v38, v14;
	v54 =	vadd.s32 $0x2710, v45;
	[tilespmem:v1+s26+$0x0] =	vst.idx.add.f32.msk $0xffff, v8  }
0x212: {  	v56 =	vmul.f32 v12, v10;
	v57 =	vmul.f32 v18, v15;
	[tilespmem:v41+s25+$0x0] =	vst.idx.add.f32.msk $0xffff, v16;
	v55 =	vadd.s32 $0x2710, v46  }
0x213: {  	v58 =	vmul.f32 v11, v30;
	v40 =	vmul.f32 v40, v15;
	[tilespmem:v43+s25+$0x0] =	vst.idx.add.f32.msk $0xffff, v29;
	v29 =	vadd.s32 $0x2710, v39  }
0x214: {  	v20 =	vadd.s32 $0x4E20, v41;
	v30 =	vmul.f32 v21, v30;
	[tilespmem:v49+s25+$0x0] =	vst.idx.add.f32.msk $0xffff, v22;
	v22 =	vadd.s32 $0x2710, v51  }
0x215: {  	v21 =	vadd.s32 $0x7530, v41;
	v18 =	vadd.s32 $0x4E20, v43;
	[tilespmem:v41+s26+$0x0] =	vst.idx.add.f32.msk $0xffff, v19;
	v41 =	vadd.s32 $0x2710, v53  }
0x216: {  	v17 =	vadd.s32 $0x4E20, v45;
	v8 =	vadd.s32 $0x7530, v45;
	v19 =	vadd.s32 $0x7530, v43;
	[tilespmem:v49+s26+$0x0] =	vst.idx.add.f32.msk $0xffff, v27  }
0x217: {  	v16 =	vadd.s32 $0x4E20, v46;
	v15 =	vadd.s32 $0x7530, v46;
	v13 =	vadd.s32 $0x4E20, v39;
	[tilespmem:v52+s25+$0x0] =	vst.idx.add.f32.msk $0xffff, v28  }
0x218: {  	v14 =	vadd.s32 $0x7530, v39;
	v12 =	vadd.s32 $0x4E20, v51;
	v11 =	vadd.s32 $0x7530, v51;
	[tilespmem:v43+s26+$0x0] =	vst.idx.add.f32.msk $0xffff, v24  }
0x219: {  	v10 =	vadd.s32 $0x4E20, v53;
	v1 =	vadd.s32 $0x7530, v53;
	[tilespmem:v52+s26+$0x0] =	vst.idx.add.f32.msk $0xffff, v23  }
0x21a: {  	[tilespmem:v45+s25+$0x0] =	vst.idx.add.f32.msk $0xffff, v31  }
0x21b: {  	[tilespmem:v54+s25+$0x0] =	vst.idx.add.f32.msk $0xffff, v33  }
0x21c: {  	[tilespmem:v45+s26+$0x0] =	vst.idx.add.f32.msk $0xffff, v26  }
0x21d: {  	[tilespmem:v54+s26+$0x0] =	vst.idx.add.f32.msk $0xffff, v35  }
0x21e: {  	[tilespmem:v46+s25+$0x0] =	vst.idx.add.f32.msk $0xffff, v32  }
0x21f: {  	[tilespmem:v55+s25+$0x0] =	vst.idx.add.f32.msk $0xffff, v37  }
0x220: {  	[tilespmem:v46+s26+$0x0] =	vst.idx.add.f32.msk $0xffff, v25  }
0x221: {  	[tilespmem:v55+s26+$0x0] =	vst.idx.add.f32.msk $0xffff, v47  }
0x222: {  	[tilespmem:v39+s25+$0x0] =	vst.idx.add.f32.msk $0xffff, v48  }
0x223: {  	[tilespmem:v29+s25+$0x0] =	vst.idx.add.f32.msk $0xffff, v50  }
0x224: {  	[tilespmem:v39+s26+$0x0] =	vst.idx.add.f32.msk $0xffff, v34  }
0x225: {  	[tilespmem:v29+s26+$0x0] =	vst.idx.add.f32.msk $0xffff, v42  }
0x226: {  	[tilespmem:v51+s25+$0x0] =	vst.idx.add.f32.msk $0xffff, v36  }
0x227: {  	[tilespmem:v22+s25+$0x0] =	vst.idx.add.f32.msk $0xffff, v44  }
0x228: {  	[tilespmem:v51+s26+$0x0] =	vst.idx.add.f32.msk $0xffff, v38  }
0x229: {  	[tilespmem:v22+s26+$0x0] =	vst.idx.add.f32.msk $0xffff, v56  }
0x22a: {  	[tilespmem:v53+s25+$0x0] =	vst.idx.add.f32.msk $0xffff, v57  }
0x22b: {  	[tilespmem:v41+s25+$0x0] =	vst.idx.add.f32.msk $0xffff, v58  }
0x22c: {  	[tilespmem:v53+s26+$0x0] =	vst.idx.add.f32.msk $0xffff, v40  }
0x22d: {  	[tilespmem:v41+s26+$0x0] =	vst.idx.add.f32.msk $0xffff, v30  }
0x22e: {  	v9 =	vld.idx.msk [tilespmem:v9+s3+$0x0], $0xffff  }
0x22f: {  	v2 =	vld.idx.msk [tilespmem:v2+s3+$0x0], $0xffff  }
0x230: {  	v3 =	vld.idx.msk [tilespmem:v3+s3+$0x0], $0xffff  }
0x231: {  	v4 =	vld.idx.msk [tilespmem:v4+s3+$0x0], $0xffff  }
0x232: {  	v5 =	vld.idx.msk [tilespmem:v5+s3+$0x0], $0xffff  }
0x233: {  	v7 =	vld.idx.msk [tilespmem:v7+s3+$0x0], $0xffff  }
0x234: {  	v22 =	vunpack.i.u.bf16.f32 v9;
	v9 =	vunpack.i.l.bf16.f32 v9;
	v6 =	vld.idx.msk [tilespmem:v6+s3+$0x0], $0xffff  }
0x235: {  	v24 =	vunpack.i.u.bf16.f32 v2;
	v2 =	vunpack.i.l.bf16.f32 v2;
	v23 =	vld [tilespmem:s0+$0xFFFFFF90]  }
0x236: {  	v26 =	vunpack.i.u.bf16.f32 v3;
	v3 =	vunpack.i.l.bf16.f32 v3;
	v25 =	vld [tilespmem:s14+$0xFFFFFF90]  }
0x237: {  	v28 =	vunpack.i.u.bf16.f32 v4;
	v4 =	vunpack.i.l.bf16.f32 v4;
	v27 =	vld [tilespmem:s0+$0xFFFFFFA0]  }
0x238: {  	v30 =	vunpack.i.u.bf16.f32 v5;
	v5 =	vunpack.i.l.bf16.f32 v5;
	v29 =	vld [tilespmem:s14+$0xFFFFFFA0]  }
0x239: {  	v32 =	vunpack.i.u.bf16.f32 v7;
	v7 =	vunpack.i.l.bf16.f32 v7;
	v31 =	vld [tilespmem:s0+$0xFFFFFFB0]  }
0x23a: {  	v35 =	vunpack.i.u.bf16.f32 v6;
	v6 =	vunpack.i.l.bf16.f32 v6;
	v33 =	vunpack.i.u.bf16.f32 v23;
	v34 =	vld [tilespmem:s14+$0xFFFFFFB0]  }
0x23b: {  	v23 =	vunpack.i.l.bf16.f32 v23;
	v36 =	vunpack.i.u.bf16.f32 v25;
	v25 =	vunpack.i.l.bf16.f32 v25;
	v37 =	vld [tilespmem:s0+$0xFFFFFFC0]  }
0x23c: {  	v23 =	vmul.f32 v23, v9;
	v38 =	vunpack.i.u.bf16.f32 v27;
	v27 =	vunpack.i.l.bf16.f32 v27;
	v39 =	vld [tilespmem:s14+$0xFFFFFFC0]  }
0x23d: {  	v33 =	vmul.f32 v33, v22;
	v40 =	vunpack.i.u.bf16.f32 v29;
	v29 =	vunpack.i.l.bf16.f32 v29;
	v41 =	vld [tilespmem:s0+$0xFFFFFFD0]  }
0x23e: {  	v9 =	vmul.f32 v25, v9;
	v25 =	vunpack.i.u.bf16.f32 v31;
	v31 =	vunpack.i.l.bf16.f32 v31;
	v42 =	vld [tilespmem:s14+$0xFFFFFFD0]  }
0x23f: {  	v22 =	vmul.f32 v36, v22;
	v36 =	vunpack.i.u.bf16.f32 v34;
	v34 =	vunpack.i.l.bf16.f32 v34;
	v43 =	vld [tilespmem:s0+$0xFFFFFFE0]  }
0x240: {  	v27 =	vmul.f32 v27, v2;
	v44 =	vunpack.i.u.bf16.f32 v37;
	v37 =	vunpack.i.l.bf16.f32 v37;
	v45 =	vld [tilespmem:s14+$0xFFFFFFE0]  }
0x241: {  	v38 =	vmul.f32 v38, v24;
	v46 =	vunpack.i.u.bf16.f32 v39;
	v39 =	vunpack.i.l.bf16.f32 v39;
	v47 =	vld [tilespmem:s0+$0xFFFFFFF0]  }
0x242: {  	v2 =	vmul.f32 v29, v2;
	v29 =	vunpack.i.u.bf16.f32 v41;
	v41 =	vunpack.i.l.bf16.f32 v41;
	v48 =	vld [tilespmem:s14+$0xFFFFFFF0]  }
0x243: {  	[tilespmem:v20+s25+$0x0] =	vst.idx.add.f32.msk $0xffff, v23;
	v23 =	vmul.f32 v40, v24;
	v24 =	vunpack.i.u.bf16.f32 v42;
	v40 =	vunpack.i.l.bf16.f32 v42  }
0x244: {  	v31 =	vmul.f32 v31, v3;
	[tilespmem:v21+s25+$0x0] =	vst.idx.add.f32.msk $0xffff, v33;
	v33 =	vunpack.i.u.bf16.f32 v43;
	v42 =	vunpack.i.l.bf16.f32 v43  }
0x245: {  	[tilespmem:v20+s26+$0x0] =	vst.idx.add.f32.msk $0xffff, v9;
	v9 =	vmul.f32 v25, v26;
	v20 =	vunpack.i.u.bf16.f32 v45;
	v25 =	vunpack.i.l.bf16.f32 v45  }
0x246: {  	v3 =	vmul.f32 v34, v3;
	[tilespmem:v21+s26+$0x0] =	vst.idx.add.f32.msk $0xffff, v22;
	v21 =	vunpack.i.u.bf16.f32 v47;
	v22 =	vunpack.i.l.bf16.f32 v47  }
0x247: {  	v26 =	vmul.f32 v36, v26;
	[tilespmem:v18+s25+$0x0] =	vst.idx.add.f32.msk $0xffff, v27;
	v27 =	vunpack.i.u.bf16.f32 v48;
	v34 =	vunpack.i.l.bf16.f32 v48  }
0x248: {  	v36 =	vmul.f32 v37, v4;
	v37 =	vmul.f32 v44, v28;
	[tilespmem:v19+s25+$0x0] =	vst.idx.add.f32.msk $0xffff, v38  }
0x249: {  	[tilespmem:v18+s26+$0x0] =	vst.idx.add.f32.msk $0xffff, v2;
	v2 =	vmul.f32 v39, v4;
	v4 =	vmul.f32 v46, v28  }
0x24a: {  	v18 =	vmul.f32 v41, v5;
	[tilespmem:v19+s26+$0x0] =	vst.idx.add.f32.msk $0xffff, v23;
	v19 =	vmul.f32 v29, v30  }
0x24b: {  	v5 =	vmul.f32 v40, v5;
	v23 =	vmul.f32 v24, v30;
	[tilespmem:v17+s25+$0x0] =	vst.idx.add.f32.msk $0xffff, v31  }
0x24c: {  	v24 =	vmul.f32 v33, v32;
	[tilespmem:v8+s25+$0x0] =	vst.idx.add.f32.msk $0xffff, v9;
	v9 =	vmul.f32 v42, v7  }
0x24d: {  	[tilespmem:v17+s26+$0x0] =	vst.idx.add.f32.msk $0xffff, v3;
	v3 =	vmul.f32 v25, v7;
	v7 =	vmul.f32 v20, v32  }
0x24e: {  	v17 =	vmul.f32 v22, v6;
	v20 =	vmul.f32 v21, v35;
	[tilespmem:v8+s26+$0x0] =	vst.idx.add.f32.msk $0xffff, v26  }
0x24f: {  	v6 =	vmul.f32 v34, v6;
	v8 =	vmul.f32 v27, v35;
	[tilespmem:v16+s25+$0x0] =	vst.idx.add.f32.msk $0xffff, v36  }
0x250: {  	[tilespmem:v15+s25+$0x0] =	vst.idx.add.f32.msk $0xffff, v37  }
0x251: {  	[tilespmem:v16+s26+$0x0] =	vst.idx.add.f32.msk $0xffff, v2  }
0x252: {  	[tilespmem:v15+s26+$0x0] =	vst.idx.add.f32.msk $0xffff, v4  }
0x253: {  	[tilespmem:v13+s25+$0x0] =	vst.idx.add.f32.msk $0xffff, v18  }
0x254: {  	[tilespmem:v14+s25+$0x0] =	vst.idx.add.f32.msk $0xffff, v19  }
0x255: {  	[tilespmem:v13+s26+$0x0] =	vst.idx.add.f32.msk $0xffff, v5  }
0x256: {  	[tilespmem:v14+s26+$0x0] =	vst.idx.add.f32.msk $0xffff, v23  }
0x257: {  	[tilespmem:v12+s25+$0x0] =	vst.idx.add.f32.msk $0xffff, v9  }
0x258: {  	[tilespmem:v11+s25+$0x0] =	vst.idx.add.f32.msk $0xffff, v24  }
.Ltmp3:
0x259: {  	[tilespmem:v12+s26+$0x0] =	vst.idx.add.f32.msk $0xffff, v3;
	(pc) =	sbr.rel @p0 .LBB2_9-.Ltmp3, $4  }
0x25a: {  	[tilespmem:v11+s26+$0x0] =	vst.idx.add.f32.msk $0xffff, v7  }
0x25b: {  	[tilespmem:v10+s25+$0x0] =	vst.idx.add.f32.msk $0xffff, v17  }
0x25c: {  	[tilespmem:v1+s25+$0x0] =	vst.idx.add.f32.msk $0xffff, v20  }
0x25d: {  	s7 =	sadd.s32 $0x100, s7;
	[tilespmem:v10+s26+$0x0] =	vst.idx.add.f32.msk $0xffff, v6  }
0x25e: {  	s1 =	sadd.s32 $0x1, s1  }
0x25f: {  	p0 =	sne.s32 s1, $0x7D  }
.Ltmp4:
0x260: {  	_ = 	snop;
	(pc) =	sbr.rel @p0 .LBB2_6-.Ltmp4, $2  }
0x261: {  	_ =	sdelay $0x2  }
0x262: {  	[tilespmem:v1+s26+$0x0] =	vst.idx.add.f32.msk $0xffff, v8  }
0x263: {  	[hbm4b:s10+s3] =	stream.linear.scatter [tilespmem:s25], [sflag:$0x7], $0x9C40, $0x38;
	[tilespmem:$0x1C380] =	vst v63  }
0x264: {  	s31 =	sadd.s32 $0x1, s31;
	_ =	swait.ge [sflag:s13], $0x9C40  }
0x265: {  	p0 =	sne.s32 s31, s12;
	[sflag:s13] =	ssyncset.done $0x0  }
.Ltmp5:
0x266: {  	[sflag:s13] =	ssyncadd.s32 $0xFFFF63C0;
	(pc) =	sbr.rel @p0 .LBB2_1-.Ltmp5, $4  }
0x267: {  	[hbm4b:s11+s3] =	stream.linear.scatter [tilespmem:s26], [sflag:$0x7], $0x9C40, $0x38;
	[tilespmem:$0x1C380] =	vst v63  }
0x268: {  	_ =	swait.ge [sflag:s13], $0x9C40  }
0x269: {  	[sflag:s13] =	ssyncset.done $0x0  }
0x26a: {  	[sflag:s13] =	ssyncadd.s32 $0xFFFF63C0  }
0x26b: {  	_ =	sfence.sel $0x180000  }
0x26c: {  	[bflag:$0x0] =	sbarrier.arrive $0xFFFF  }
0x26d: {  	_ =	strace $0x90000047  }
0x26e: {  	s0 =	stileid.u32;
	[bflag:$0x2] =	sbarrier.arrive $0xFFFF  }
0x26f: {  	p0 =	sne.s32 s0, $0x0;
	s0 =	rddreg [dreg:$0x2]  }
0x270: {  	s0 =	sadd.s32 @!p0 $0x100000, s0  }
0x271: {  	[sflag:s0] =	ssyncadd.tile.s32 @!p0 $0x1;
	_ =	shalt  }
.Lfunc_end2:
_tile_overlayer_lowered:
.L_overlay_start_2:
0x272: {  	(tag) =	ssettag $0x2  }
0x273: {  	s0 =	rddreg [dreg:$0x0];
	s2 =	stileid.u32  }
0x274: {  	s1 =	rddreg [dreg:$0x1];
	p0 =	sne.s32 s2, $0x0  }
0x275: {  	s3 =	rddreg [dreg:$0x2];
	[bflag:$0x3] =	sbarrier.arrive $0xFFFF;
	s2 =	simm.s32 @!p0 $0x1C07  }
0x276: {  	[timem:s3], [sflag:s2] =	dma.local @!p0 [hbm:s0], s1  }
0x277: {  	s0 =	simm.s32 @!p0 $0x7  }
0x278: {  	_ =	swait.ge @!p0 [sflag:s0], s1  }
0x279: {  	s1 =	ssub.s32 @!p0 $0x0, s1;
	[sflag:s0] =	ssyncset.done @!p0 $0x0  }
0x27a: {  	[sflag:s0] =	ssyncadd.s32 @!p0 s1  }
0x27b: {  	[bflag:$0x3] =	sbarrier.arrive $0xFFFF  }
0x27c: {  	_ =	shalt  }

</sc_bundles>
